<compile_context>
chip_gen: v7x
topology: tpu7x:2x2x1
jax: 0.10.2.dev20260603
libtpu: 0.0.44.dev20260713+nightly
codegen_flags: <defaults>
</compile_context>

<pallas_src>
import functools

import jax
import jax.numpy as jnp
from jax import lax
from jax.experimental import pallas as pl
from jax.experimental.pallas import tpu as pltpu
from jax.experimental.pallas import tpu_sc as plsc

NUM_MODULES = 11
HIDDEN = 256
N_NODES = 100000
B = 64
NSEG = B * NUM_MODULES
NSEG_PAD = 720

NW = 32
BLK = 10000
NB = N_NODES // BLK
PER_W = 3200
N_PAD = NW * PER_W


def _stage1_body(x_ref, wt_ref, b2_ref, mod_ref, bat_ref,
                 raw_ref, proj_ref, seg_ref):
    x = x_ref[...]
    s = jax.lax.dot_general(
        x, wt_ref[...], (((1,), (0,)), ((), ())),
        preferred_element_type=jnp.float32)
    s = s + b2_ref[...]
    st = jnp.transpose(s)
    mod = mod_ref[0]
    row = jax.lax.broadcasted_iota(jnp.int32, (2 * NUM_MODULES, BLK), 0)
    raw_ref[0] = jnp.sum(jnp.where(row == mod, st, 0.0), axis=0,
                         keepdims=True)
    proj_ref[0] = jnp.sum(jnp.where(row == mod + NUM_MODULES, st, 0.0),
                          axis=0, keepdims=True)
    seg_ref[0] = bat_ref[0] * NUM_MODULES + mod


def _stage1(x, Wt, b2, mod3, bat3):
    return pl.pallas_call(
        _stage1_body,
        grid=(NB,),
        in_specs=[
            pl.BlockSpec((BLK, HIDDEN), lambda i: (i, 0)),
            pl.BlockSpec((HIDDEN, 2 * NUM_MODULES), lambda i: (0, 0)),
            pl.BlockSpec((1, 2 * NUM_MODULES), lambda i: (0, 0)),
            pl.BlockSpec((1, 1, BLK), lambda i: (i, 0, 0)),
            pl.BlockSpec((1, 1, BLK), lambda i: (i, 0, 0)),
        ],
        out_specs=[
            pl.BlockSpec((1, 1, BLK), lambda i: (i, 0, 0)),
            pl.BlockSpec((1, 1, BLK), lambda i: (i, 0, 0)),
            pl.BlockSpec((1, 1, BLK), lambda i: (i, 0, 0)),
        ],
        out_shape=[
            jax.ShapeDtypeStruct((NB, 1, BLK), jnp.float32),
            jax.ShapeDtypeStruct((NB, 1, BLK), jnp.float32),
            jax.ShapeDtypeStruct((NB, 1, BLK), jnp.int32),
        ],
    )(x, Wt, b2, mod3, bat3)


def _stage2(raw_p, proj_p, seg_p):
    mesh = plsc.VectorSubcoreMesh(core_axis_name="c", subcore_axis_name="s")

    @functools.partial(
        pl.kernel,
        mesh=mesh,
        compiler_params=pltpu.CompilerParams(needs_layout_passes=False),
        out_type=[
            jax.ShapeDtypeStruct((NW, NSEG_PAD), jnp.float32),
            jax.ShapeDtypeStruct((NW, NSEG_PAD), jnp.float32),
        ],
        scratch_types=[
            pltpu.VMEM((PER_W,), jnp.float32),
            pltpu.VMEM((PER_W,), jnp.float32),
            pltpu.VMEM((PER_W,), jnp.int32),
            pltpu.VMEM((16,), jnp.float32),
            pltpu.VMEM((NSEG_PAD,), jnp.float32),
            pltpu.VMEM((NSEG_PAD,), jnp.float32),
            pltpu.SemaphoreType.DMA,
            pltpu.SemaphoreType.DMA,
            pltpu.SemaphoreType.DMA,
        ],
    )
    def s2(raw_hbm, proj_hbm, seg_hbm, do_hbm, no_hbm,
           raw_v, proj_v, seg_v, mw_v, d_v, n_v, sem1, sem2, sem3):
        wid = lax.axis_index("s") * 2 + lax.axis_index("c")
        base = wid * PER_W
        c1 = pltpu.async_copy(raw_hbm.at[pl.ds(base, PER_W)], raw_v, sem1)
        c2 = pltpu.async_copy(proj_hbm.at[pl.ds(base, PER_W)], proj_v, sem2)
        c3 = pltpu.async_copy(seg_hbm.at[pl.ds(base, PER_W)], seg_v, sem3)

        zero = jnp.zeros((16,), jnp.float32)
        for k in range(NSEG_PAD // 16):
            sl = pl.ds(k * 16, 16)
            d_v[sl] = zero
            n_v[sl] = zero

        c1.wait()
        UMAX = 4
        ninf = jnp.full((16,), -jnp.inf, jnp.float32)

        def max_body(k, accs):
            return tuple(
                jnp.maximum(accs[j], raw_v[pl.ds((UMAX * k + j) * 16, 16)])
                for j in range(UMAX))

        accs = lax.fori_loop(0, PER_W // 16 // UMAX, max_body,
                             (ninf,) * UMAX)
        macc = accs[0]
        for j in range(1, UMAX):
            macc = jnp.maximum(macc, accs[j])
        mw = lax.reduce_max(macc, (0,))
        mw_vec = lax.broadcast(mw, (16,))
        mw_v[...] = mw_vec

        c2.wait()
        c3.wait()
        U = 8

        def vec_body(k, carry):
            for j in range(U):
                sl = pl.ds((U * k + j) * 16, 16)
                sv = seg_v[sl]
                e = jnp.exp(raw_v[sl] - mw_vec)
                plsc.addupdate_scatter(d_v, [sv], e)
                plsc.addupdate_scatter(n_v, [sv], e * proj_v[sl])
            return carry

        lax.fori_loop(0, PER_W // 16 // U, vec_body, 0)

        d_v[pl.ds(NSEG, 16)] = mw_vec
        pltpu.sync_copy(d_v, do_hbm.at[wid])
        pltpu.sync_copy(n_v, no_hbm.at[wid])

    return s2(raw_p, proj_p, seg_p)


def _stage3_body(d_ref, n_ref, out_ref):
    m = d_ref[...][:, NSEG:NSEG + 1]
    gmax = jnp.max(m, axis=0, keepdims=True)
    scale = jnp.exp(m - gmax)
    denom = jnp.sum(d_ref[...] * scale, axis=0, keepdims=True)
    numer = jnp.sum(n_ref[...] * scale, axis=0, keepdims=True)
    out_ref[...] = numer / (denom + 1e-16)


def _stage3(do, no):
    return pl.pallas_call(
        _stage3_body,
        out_shape=jax.ShapeDtypeStruct((1, NSEG_PAD), jnp.float32),
    )(do, no)


def _pad_full(raw, proj, seg):
    pad = N_PAD - N_NODES
    raw_p = jnp.concatenate([raw.reshape(-1), jnp.zeros((pad,), jnp.float32)])
    proj_p = jnp.concatenate([proj.reshape(-1), jnp.zeros((pad,), jnp.float32)])
    seg_p = jnp.concatenate([seg.reshape(-1), jnp.full((pad,), NSEG, jnp.int32)])
    return raw_p, proj_p, seg_p


@jax.jit
def kernel(x, Wa, ba, Wp, bp, module_assign, batch):
    Wt = jnp.concatenate([Wa, Wp], axis=0).T
    b2 = jnp.concatenate([ba, bp]).reshape(1, 2 * NUM_MODULES)
    mod3 = module_assign.reshape(NB, 1, BLK).astype(jnp.int32)
    bat3 = batch.reshape(NB, 1, BLK).astype(jnp.int32)

    ra, pa, sa = _stage1(x, Wt, b2, mod3, bat3)
    do, no = _stage2(*_pad_full(ra, pa, sa))
    out = _stage3(do, no)
    return out[0, :NSEG].reshape(B, NUM_MODULES)

# --- scband reference (transcript-rebuilt; emitter-appended) ---
"""Pipeline reference for scband-module-attention-pool-163208757431 (READ-ONLY COPY).

The authoritative reference and input builder live on the scoring server;
editing this copy changes nothing except your own understanding.
"""

import jax, jax.numpy as jnp
import numpy as np

NUM_MODULES = 11
HIDDEN = 256
N_NODES = 100000
B = 64


def setup_inputs(seed: int = 0) -> dict:
    key = jax.random.key(seed)
    k1, k2, k3, k4, k5, k6, k7 = jax.random.split(key, 7)
    x = jax.random.normal(k1, (N_NODES, HIDDEN), dtype=jnp.float32)
    module_assign = jax.random.randint(k2, (N_NODES,), 0, NUM_MODULES)
    batch = jnp.sort(jax.random.randint(k3, (N_NODES,), 0, B))
    # per-module Linear(hidden_dim, 1): attn and proj heads, stacked over the 11 modules
    scale = 1.0 / np.sqrt(HIDDEN)
    Wa = jax.random.uniform(k4, (NUM_MODULES, HIDDEN), dtype=jnp.float32, minval=-scale, maxval=scale)
    ba = jax.random.uniform(k5, (NUM_MODULES,), dtype=jnp.float32, minval=-scale, maxval=scale)
    Wp = jax.random.uniform(k6, (NUM_MODULES, HIDDEN), dtype=jnp.float32, minval=-scale, maxval=scale)
    bp = jax.random.uniform(k7, (NUM_MODULES,), dtype=jnp.float32, minval=-scale, maxval=scale)
    return {"x": x, "Wa": Wa, "ba": ba, "Wp": Wp, "bp": bp,
            "module_assign": module_assign, "batch": batch}


def reference(x, Wa, ba, Wp, bp, module_assign, batch):
    # Each node belongs to exactly one module; softmax is taken per (graph, module)
    # segment, exactly matching the per-module loop + pyg segment softmax in torch.
    num_seg = B * NUM_MODULES
    seg = batch * NUM_MODULES + module_assign
    # attn head: raw score per node via gathered per-module weight row
    raw = jnp.einsum('nd,nd->n', x, jnp.take(Wa, module_assign, axis=0)) + jnp.take(ba, module_assign)
    # segment softmax (PyG style: subtract segment max, add 1e-16 to denominator)
    maxs = jax.ops.segment_max(raw, seg, num_segments=num_seg)
    maxs = jnp.where(jnp.isfinite(maxs), maxs, 0.0)
    maxs = jax.lax.stop_gradient(maxs)
    ex = jnp.exp(raw - maxs[seg])
    denom = jax.ops.segment_sum(ex, seg, num_segments=num_seg)
    alpha = ex / (denom[seg] + 1e-16)
    # proj head
    proj = jnp.einsum('nd,nd->n', x, jnp.take(Wp, module_assign, axis=0)) + jnp.take(bp, module_assign)
    pooled = jax.ops.segment_sum(alpha * proj, seg, num_segments=num_seg)
    module_emb = pooled.reshape(B, NUM_MODULES)
    return module_emb

if __name__ == "__main__":
    import jax
    _d = setup_inputs()
    print(jax.jit(kernel)(*tuple(_d.values())))

</pallas_src>

<mosaic_0001>
#map = affine_map<(d0, d1) -> (0)>
#map1 = affine_map<(d0, d1) -> (0, 0)>
module attributes {stable_mosaic.version = 14 : i64} {
  func.func @s2(%arg0: i32, %arg1: i32, %arg2: memref<102400xf32, #tpu.memory_space<hbm>>, %arg3: memref<102400xf32, #tpu.memory_space<hbm>>, %arg4: memref<102400xi32, #tpu.memory_space<hbm>>, %arg5: memref<32x720xf32, #tpu.memory_space<hbm>>, %arg6: memref<32x720xf32, #tpu.memory_space<hbm>>, %arg7: memref<3200xf32, #tpu.memory_space<vmem>>, %arg8: memref<3200xf32, #tpu.memory_space<vmem>>, %arg9: memref<3200xi32, #tpu.memory_space<vmem>>, %arg10: memref<16xf32, #tpu.memory_space<vmem>>, %arg11: memref<720xf32, #tpu.memory_space<vmem>>, %arg12: memref<720xf32, #tpu.memory_space<vmem>>, %arg13: memref<!tpu.dma_semaphore, #tpu.memory_space<semaphore_mem>>, %arg14: memref<!tpu.dma_semaphore, #tpu.memory_space<semaphore_mem>>, %arg15: memref<!tpu.dma_semaphore, #tpu.memory_space<semaphore_mem>>) attributes {dimension_semantics = [#tpu.dimension_semantics<core_parallel>, #tpu.dimension_semantics<subcore_parallel>], iteration_bounds = array<i64: 2, 16>, scalar_prefetch = 0 : i64, scratch_operands = 9 : i64, tpu.core_type = #tpu.core_type<sc_vector_subcore>, window_params = [{transform_indices = #map}, {transform_indices = #map}, {transform_indices = #map}, {transform_indices = #map1}, {transform_indices = #map1}]} {
    %mul3A = arith.constant 2 : i32
    %mul3A_0 = arith.muli %arg1, %mul3A : i32
    %add3A = arith.addi %mul3A_0, %arg0 : i32
    %mul3A_1 = arith.constant 3200 : i32
    %mul3A_2 = arith.muli %add3A, %mul3A_1 : i32
    %dma_start3A = tpu.memref_slice %arg2[%mul3A_2] : memref<102400xf32, #tpu.memory_space<hbm>> -> memref<3200xf32, #tpu.memory_space<hbm>>
    %dma_start3A_3 = tpu.memref_slice %arg2[%mul3A_2] : memref<102400xf32, #tpu.memory_space<hbm>> -> memref<3200xf32, #tpu.memory_space<hbm>>
    tpu.enqueue_dma source(%dma_start3A_3 : memref<3200xf32, #tpu.memory_space<hbm>>) target(%arg7 : memref<3200xf32, #tpu.memory_space<vmem>>) target_semaphore(%arg13 : memref<!tpu.dma_semaphore, #tpu.memory_space<semaphore_mem>>)
    %dma_start3A_4 = tpu.memref_slice %arg3[%mul3A_2] : memref<102400xf32, #tpu.memory_space<hbm>> -> memref<3200xf32, #tpu.memory_space<hbm>>
    %dma_start3A_5 = tpu.memref_slice %arg3[%mul3A_2] : memref<102400xf32, #tpu.memory_space<hbm>> -> memref<3200xf32, #tpu.memory_space<hbm>>
    tpu.enqueue_dma source(%dma_start3A_5 : memref<3200xf32, #tpu.memory_space<hbm>>) target(%arg8 : memref<3200xf32, #tpu.memory_space<vmem>>) target_semaphore(%arg14 : memref<!tpu.dma_semaphore, #tpu.memory_space<semaphore_mem>>)
    %dma_start3A_6 = tpu.memref_slice %arg4[%mul3A_2] : memref<102400xi32, #tpu.memory_space<hbm>> -> memref<3200xi32, #tpu.memory_space<hbm>>
    %dma_start3A_7 = tpu.memref_slice %arg4[%mul3A_2] : memref<102400xi32, #tpu.memory_space<hbm>> -> memref<3200xi32, #tpu.memory_space<hbm>>
    tpu.enqueue_dma source(%dma_start3A_7 : memref<3200xi32, #tpu.memory_space<hbm>>) target(%arg9 : memref<3200xi32, #tpu.memory_space<vmem>>) target_semaphore(%arg15 : memref<!tpu.dma_semaphore, #tpu.memory_space<semaphore_mem>>)
    %broadcast_in_dim3A = arith.constant 0.000000e+00 : f32
    %broadcast_in_dim3A_8 = vector.broadcast %broadcast_in_dim3A : f32 to vector<16xf32>
    %swap3A = arith.constant 0 : index
    %swap3A_9 = tpu.vector_load %arg11[%swap3A] {strides = array<i32>} : memref<720xf32, #tpu.memory_space<vmem>>, vector<16xf32>,
    tpu.vector_store %arg11[%swap3A], %broadcast_in_dim3A_8 {strides = array<i32>} : memref<720xf32, #tpu.memory_space<vmem>>, vector<16xf32>,
    %swap3A_10 = arith.constant 0 : index
    %swap3A_11 = tpu.vector_load %arg12[%swap3A_10] {strides = array<i32>} : memref<720xf32, #tpu.memory_space<vmem>>, vector<16xf32>,
    tpu.vector_store %arg12[%swap3A_10], %broadcast_in_dim3A_8 {strides = array<i32>} : memref<720xf32, #tpu.memory_space<vmem>>, vector<16xf32>,
    %swap3A_12 = arith.constant 16 : index
    %swap3A_13 = tpu.vector_load %arg11[%swap3A_12] {strides = array<i32>} : memref<720xf32, #tpu.memory_space<vmem>>, vector<16xf32>,
    tpu.vector_store %arg11[%swap3A_12], %broadcast_in_dim3A_8 {strides = array<i32>} : memref<720xf32, #tpu.memory_space<vmem>>, vector<16xf32>,
    %swap3A_14 = arith.constant 16 : index
    %swap3A_15 = tpu.vector_load %arg12[%swap3A_14] {strides = array<i32>} : memref<720xf32, #tpu.memory_space<vmem>>, vector<16xf32>,
    tpu.vector_store %arg12[%swap3A_14], %broadcast_in_dim3A_8 {strides = array<i32>} : memref<720xf32, #tpu.memory_space<vmem>>, vector<16xf32>,
    %swap3A_16 = arith.constant 32 : index
    %swap3A_17 = tpu.vector_load %arg11[%swap3A_16] {strides = array<i32>} : memref<720xf32, #tpu.memory_space<vmem>>, vector<16xf32>,
    tpu.vector_store %arg11[%swap3A_16], %broadcast_in_dim3A_8 {strides = array<i32>} : memref<720xf32, #tpu.memory_space<vmem>>, vector<16xf32>,
    %swap3A_18 = arith.constant 32 : index
    %swap3A_19 = tpu.vector_load %arg12[%swap3A_18] {strides = array<i32>} : memref<720xf32, #tpu.memory_space<vmem>>, vector<16xf32>,
    tpu.vector_store %arg12[%swap3A_18], %broadcast_in_dim3A_8 {strides = array<i32>} : memref<720xf32, #tpu.memory_space<vmem>>, vector<16xf32>,
    %swap3A_20 = arith.constant 48 : index
    %swap3A_21 = tpu.vector_load %arg11[%swap3A_20] {strides = array<i32>} : memref<720xf32, #tpu.memory_space<vmem>>, vector<16xf32>,
    tpu.vector_store %arg11[%swap3A_20], %broadcast_in_dim3A_8 {strides = array<i32>} : memref<720xf32, #tpu.memory_space<vmem>>, vector<16xf32>,
    %swap3A_22 = arith.constant 48 : index
    %swap3A_23 = tpu.vector_load %arg12[%swap3A_22] {strides = array<i32>} : memref<720xf32, #tpu.memory_space<vmem>>, vector<16xf32>,
    tpu.vector_store %arg12[%swap3A_22], %broadcast_in_dim3A_8 {strides = array<i32>} : memref<720xf32, #tpu.memory_space<vmem>>, vector<16xf32>,
    %swap3A_24 = arith.constant 64 : index
    %swap3A_25 = tpu.vector_load %arg11[%swap3A_24] {strides = array<i32>} : memref<720xf32, #tpu.memory_space<vmem>>, vector<16xf32>,
    tpu.vector_store %arg11[%swap3A_24], %broadcast_in_dim3A_8 {strides = array<i32>} : memref<720xf32, #tpu.memory_space<vmem>>, vector<16xf32>,
    %swap3A_26 = arith.constant 64 : index
    %swap3A_27 = tpu.vector_load %arg12[%swap3A_26] {strides = array<i32>} : memref<720xf32, #tpu.memory_space<vmem>>, vector<16xf32>,
    tpu.vector_store %arg12[%swap3A_26], %broadcast_in_dim3A_8 {strides = array<i32>} : memref<720xf32, #tpu.memory_space<vmem>>, vector<16xf32>,
    %swap3A_28 = arith.constant 80 : index
    %swap3A_29 = tpu.vector_load %arg11[%swap3A_28] {strides = array<i32>} : memref<720xf32, #tpu.memory_space<vmem>>, vector<16xf32>,
    tpu.vector_store %arg11[%swap3A_28], %broadcast_in_dim3A_8 {strides = array<i32>} : memref<720xf32, #tpu.memory_space<vmem>>, vector<16xf32>,
    %swap3A_30 = arith.constant 80 : index
    %swap3A_31 = tpu.vector_load %arg12[%swap3A_30] {strides = array<i32>} : memref<720xf32, #tpu.memory_space<vmem>>, vector<16xf32>,
    tpu.vector_store %arg12[%swap3A_30], %broadcast_in_dim3A_8 {strides = array<i32>} : memref<720xf32, #tpu.memory_space<vmem>>, vector<16xf32>,
    %swap3A_32 = arith.constant 96 : index
    %swap3A_33 = tpu.vector_load %arg11[%swap3A_32] {strides = array<i32>} : memref<720xf32, #tpu.memory_space<vmem>>, vector<16xf32>,
    tpu.vector_store %arg11[%swap3A_32], %broadcast_in_dim3A_8 {strides = array<i32>} : memref<720xf32, #tpu.memory_space<vmem>>, vector<16xf32>,
    %swap3A_34 = arith.constant 96 : index
    %swap3A_35 = tpu.vector_load %arg12[%swap3A_34] {strides = array<i32>} : memref<720xf32, #tpu.memory_space<vmem>>, vector<16xf32>,
    tpu.vector_store %arg12[%swap3A_34], %broadcast_in_dim3A_8 {strides = array<i32>} : memref<720xf32, #tpu.memory_space<vmem>>, vector<16xf32>,
    %swap3A_36 = arith.constant 112 : index
    %swap3A_37 = tpu.vector_load %arg11[%swap3A_36] {strides = array<i32>} : memref<720xf32, #tpu.memory_space<vmem>>, vector<16xf32>,
    tpu.vector_store %arg11[%swap3A_36], %broadcast_in_dim3A_8 {strides = array<i32>} : memref<720xf32, #tpu.memory_space<vmem>>, vector<16xf32>,
    %swap3A_38 = arith.constant 112 : index
    %swap3A_39 = tpu.vector_load %arg12[%swap3A_38] {strides = array<i32>} : memref<720xf32, #tpu.memory_space<vmem>>, vector<16xf32>,
    tpu.vector_store %arg12[%swap3A_38], %broadcast_in_dim3A_8 {strides = array<i32>} : memref<720xf32, #tpu.memory_space<vmem>>, vector<16xf32>,
    %swap3A_40 = arith.constant 128 : index
    %swap3A_41 = tpu.vector_load %arg11[%swap3A_40] {strides = array<i32>} : memref<720xf32, #tpu.memory_space<vmem>>, vector<16xf32>,
    tpu.vector_store %arg11[%swap3A_40], %broadcast_in_dim3A_8 {strides = array<i32>} : memref<720xf32, #tpu.memory_space<vmem>>, vector<16xf32>,
    %swap3A_42 = arith.constant 128 : index
    %swap3A_43 = tpu.vector_load %arg12[%swap3A_42] {strides = array<i32>} : memref<720xf32, #tpu.memory_space<vmem>>, vector<16xf32>,
    tpu.vector_store %arg12[%swap3A_42], %broadcast_in_dim3A_8 {strides = array<i32>} : memref<720xf32, #tpu.memory_space<vmem>>, vector<16xf32>,
    %swap3A_44 = arith.constant 144 : index
    %swap3A_45 = tpu.vector_load %arg11[%swap3A_44] {strides = array<i32>} : memref<720xf32, #tpu.memory_space<vmem>>, vector<16xf32>,
    tpu.vector_store %arg11[%swap3A_44], %broadcast_in_dim3A_8 {strides = array<i32>} : memref<720xf32, #tpu.memory_space<vmem>>, vector<16xf32>,
    %swap3A_46 = arith.constant 144 : index
    %swap3A_47 = tpu.vector_load %arg12[%swap3A_46] {strides = array<i32>} : memref<720xf32, #tpu.memory_space<vmem>>, vector<16xf32>,
    tpu.vector_store %arg12[%swap3A_46], %broadcast_in_dim3A_8 {strides = array<i32>} : memref<720xf32, #tpu.memory_space<vmem>>, vector<16xf32>,
    %swap3A_48 = arith.constant 160 : index
    %swap3A_49 = tpu.vector_load %arg11[%swap3A_48] {strides = array<i32>} : memref<720xf32, #tpu.memory_space<vmem>>, vector<16xf32>,
    tpu.vector_store %arg11[%swap3A_48], %broadcast_in_dim3A_8 {strides = array<i32>} : memref<720xf32, #tpu.memory_space<vmem>>, vector<16xf32>,
    %swap3A_50 = arith.constant 160 : index
    %swap3A_51 = tpu.vector_load %arg12[%swap3A_50] {strides = array<i32>} : memref<720xf32, #tpu.memory_space<vmem>>, vector<16xf32>,
    tpu.vector_store %arg12[%swap3A_50], %broadcast_in_dim3A_8 {strides = array<i32>} : memref<720xf32, #tpu.memory_space<vmem>>, vector<16xf32>,
    %swap3A_52 = arith.constant 176 : index
    %swap3A_53 = tpu.vector_load %arg11[%swap3A_52] {strides = array<i32>} : memref<720xf32, #tpu.memory_space<vmem>>, vector<16xf32>,
    tpu.vector_store %arg11[%swap3A_52], %broadcast_in_dim3A_8 {strides = array<i32>} : memref<720xf32, #tpu.memory_space<vmem>>, vector<16xf32>,
    %swap3A_54 = arith.constant 176 : index
    %swap3A_55 = tpu.vector_load %arg12[%swap3A_54] {strides = array<i32>} : memref<720xf32, #tpu.memory_space<vmem>>, vector<16xf32>,
    tpu.vector_store %arg12[%swap3A_54], %broadcast_in_dim3A_8 {strides = array<i32>} : memref<720xf32, #tpu.memory_space<vmem>>, vector<16xf32>,
    %swap3A_56 = arith.constant 192 : index
    %swap3A_57 = tpu.vector_load %arg11[%swap3A_56] {strides = array<i32>} : memref<720xf32, #tpu.memory_space<vmem>>, vector<16xf32>,
    tpu.vector_store %arg11[%swap3A_56], %broadcast_in_dim3A_8 {strides = array<i32>} : memref<720xf32, #tpu.memory_space<vmem>>, vector<16xf32>,
    %swap3A_58 = arith.constant 192 : index
    %swap3A_59 = tpu.vector_load %arg12[%swap3A_58] {strides = array<i32>} : memref<720xf32, #tpu.memory_space<vmem>>, vector<16xf32>,
    tpu.vector_store %arg12[%swap3A_58], %broadcast_in_dim3A_8 {strides = array<i32>} : memref<720xf32, #tpu.memory_space<vmem>>, vector<16xf32>,
    %swap3A_60 = arith.constant 208 : index
    %swap3A_61 = tpu.vector_load %arg11[%swap3A_60] {strides = array<i32>} : memref<720xf32, #tpu.memory_space<vmem>>, vector<16xf32>,
    tpu.vector_store %arg11[%swap3A_60], %broadcast_in_dim3A_8 {strides = array<i32>} : memref<720xf32, #tpu.memory_space<vmem>>, vector<16xf32>,
    %swap3A_62 = arith.constant 208 : index
    %swap3A_63 = tpu.vector_load %arg12[%swap3A_62] {strides = array<i32>} : memref<720xf32, #tpu.memory_space<vmem>>, vector<16xf32>,
    tpu.vector_store %arg12[%swap3A_62], %broadcast_in_dim3A_8 {strides = array<i32>} : memref<720xf32, #tpu.memory_space<vmem>>, vector<16xf32>,
    %swap3A_64 = arith.constant 224 : index
    %swap3A_65 = tpu.vector_load %arg11[%swap3A_64] {strides = array<i32>} : memref<720xf32, #tpu.memory_space<vmem>>, vector<16xf32>,
    tpu.vector_store %arg11[%swap3A_64], %broadcast_in_dim3A_8 {strides = array<i32>} : memref<720xf32, #tpu.memory_space<vmem>>, vector<16xf32>,
    %swap3A_66 = arith.constant 224 : index
    %swap3A_67 = tpu.vector_load %arg12[%swap3A_66] {strides = array<i32>} : memref<720xf32, #tpu.memory_space<vmem>>, vector<16xf32>,
    tpu.vector_store %arg12[%swap3A_66], %broadcast_in_dim3A_8 {strides = array<i32>} : memref<720xf32, #tpu.memory_space<vmem>>, vector<16xf32>,
    %swap3A_68 = arith.constant 240 : index
    %swap3A_69 = tpu.vector_load %arg11[%swap3A_68] {strides = array<i32>} : memref<720xf32, #tpu.memory_space<vmem>>, vector<16xf32>,
    tpu.vector_store %arg11[%swap3A_68], %broadcast_in_dim3A_8 {strides = array<i32>} : memref<720xf32, #tpu.memory_space<vmem>>, vector<16xf32>,
    %swap3A_70 = arith.constant 240 : index
    %swap3A_71 = tpu.vector_load %arg12[%swap3A_70] {strides = array<i32>} : memref<720xf32, #tpu.memory_space<vmem>>, vector<16xf32>,
    tpu.vector_store %arg12[%swap3A_70], %broadcast_in_dim3A_8 {strides = array<i32>} : memref<720xf32, #tpu.memory_space<vmem>>, vector<16xf32>,
    %swap3A_72 = arith.constant 256 : index
    %swap3A_73 = tpu.vector_load %arg11[%swap3A_72] {strides = array<i32>} : memref<720xf32, #tpu.memory_space<vmem>>, vector<16xf32>,
    tpu.vector_store %arg11[%swap3A_72], %broadcast_in_dim3A_8 {strides = array<i32>} : memref<720xf32, #tpu.memory_space<vmem>>, vector<16xf32>,
    %swap3A_74 = arith.constant 256 : index
    %swap3A_75 = tpu.vector_load %arg12[%swap3A_74] {strides = array<i32>} : memref<720xf32, #tpu.memory_space<vmem>>, vector<16xf32>,
    tpu.vector_store %arg12[%swap3A_74], %broadcast_in_dim3A_8 {strides = array<i32>} : memref<720xf32, #tpu.memory_space<vmem>>, vector<16xf32>,
    %swap3A_76 = arith.constant 272 : index
    %swap3A_77 = tpu.vector_load %arg11[%swap3A_76] {strides = array<i32>} : memref<720xf32, #tpu.memory_space<vmem>>, vector<16xf32>,
    tpu.vector_store %arg11[%swap3A_76], %broadcast_in_dim3A_8 {strides = array<i32>} : memref<720xf32, #tpu.memory_space<vmem>>, vector<16xf32>,
    %swap3A_78 = arith.constant 272 : index
    %swap3A_79 = tpu.vector_load %arg12[%swap3A_78] {strides = array<i32>} : memref<720xf32, #tpu.memory_space<vmem>>, vector<16xf32>,
    tpu.vector_store %arg12[%swap3A_78], %broadcast_in_dim3A_8 {strides = array<i32>} : memref<720xf32, #tpu.memory_space<vmem>>, vector<16xf32>,
    %swap3A_80 = arith.constant 288 : index
    %swap3A_81 = tpu.vector_load %arg11[%swap3A_80] {strides = array<i32>} : memref<720xf32, #tpu.memory_space<vmem>>, vector<16xf32>,
    tpu.vector_store %arg11[%swap3A_80], %broadcast_in_dim3A_8 {strides = array<i32>} : memref<720xf32, #tpu.memory_space<vmem>>, vector<16xf32>,
    %swap3A_82 = arith.constant 288 : index
    %swap3A_83 = tpu.vector_load %arg12[%swap3A_82] {strides = array<i32>} : memref<720xf32, #tpu.memory_space<vmem>>, vector<16xf32>,
    tpu.vector_store %arg12[%swap3A_82], %broadcast_in_dim3A_8 {strides = array<i32>} : memref<720xf32, #tpu.memory_space<vmem>>, vector<16xf32>,
    %swap3A_84 = arith.constant 304 : index
    %swap3A_85 = tpu.vector_load %arg11[%swap3A_84] {strides = array<i32>} : memref<720xf32, #tpu.memory_space<vmem>>, vector<16xf32>,
    tpu.vector_store %arg11[%swap3A_84], %broadcast_in_dim3A_8 {strides = array<i32>} : memref<720xf32, #tpu.memory_space<vmem>>, vector<16xf32>,
    %swap3A_86 = arith.constant 304 : index
    %swap3A_87 = tpu.vector_load %arg12[%swap3A_86] {strides = array<i32>} : memref<720xf32, #tpu.memory_space<vmem>>, vector<16xf32>,
    tpu.vector_store %arg12[%swap3A_86], %broadcast_in_dim3A_8 {strides = array<i32>} : memref<720xf32, #tpu.memory_space<vmem>>, vector<16xf32>,
    %swap3A_88 = arith.constant 320 : index
    %swap3A_89 = tpu.vector_load %arg11[%swap3A_88] {strides = array<i32>} : memref<720xf32, #tpu.memory_space<vmem>>, vector<16xf32>,
    tpu.vector_store %arg11[%swap3A_88], %broadcast_in_dim3A_8 {strides = array<i32>} : memref<720xf32, #tpu.memory_space<vmem>>, vector<16xf32>,
    %swap3A_90 = arith.constant 320 : index
    %swap3A_91 = tpu.vector_load %arg12[%swap3A_90] {strides = array<i32>} : memref<720xf32, #tpu.memory_space<vmem>>, vector<16xf32>,
    tpu.vector_store %arg12[%swap3A_90], %broadcast_in_dim3A_8 {strides = array<i32>} : memref<720xf32, #tpu.memory_space<vmem>>, vector<16xf32>,
    %swap3A_92 = arith.constant 336 : index
    %swap3A_93 = tpu.vector_load %arg11[%swap3A_92] {strides = array<i32>} : memref<720xf32, #tpu.memory_space<vmem>>, vector<16xf32>,
    tpu.vector_store %arg11[%swap3A_92], %broadcast_in_dim3A_8 {strides = array<i32>} : memref<720xf32, #tpu.memory_space<vmem>>, vector<16xf32>,
    %swap3A_94 = arith.constant 336 : index
    %swap3A_95 = tpu.vector_load %arg12[%swap3A_94] {strides = array<i32>} : memref<720xf32, #tpu.memory_space<vmem>>, vector<16xf32>,
    tpu.vector_store %arg12[%swap3A_94], %broadcast_in_dim3A_8 {strides = array<i32>} : memref<720xf32, #tpu.memory_space<vmem>>, vector<16xf32>,
    %swap3A_96 = arith.constant 352 : index
    %swap3A_97 = tpu.vector_load %arg11[%swap3A_96] {strides = array<i32>} : memref<720xf32, #tpu.memory_space<vmem>>, vector<16xf32>,
    tpu.vector_store %arg11[%swap3A_96], %broadcast_in_dim3A_8 {strides = array<i32>} : memref<720xf32, #tpu.memory_space<vmem>>, vector<16xf32>,
    %swap3A_98 = arith.constant 352 : index
    %swap3A_99 = tpu.vector_load %arg12[%swap3A_98] {strides = array<i32>} : memref<720xf32, #tpu.memory_space<vmem>>, vector<16xf32>,
    tpu.vector_store %arg12[%swap3A_98], %broadcast_in_dim3A_8 {strides = array<i32>} : memref<720xf32, #tpu.memory_space<vmem>>, vector<16xf32>,
    %swap3A_100 = arith.constant 368 : index
    %swap3A_101 = tpu.vector_load %arg11[%swap3A_100] {strides = array<i32>} : memref<720xf32, #tpu.memory_space<vmem>>, vector<16xf32>,
    tpu.vector_store %arg11[%swap3A_100], %broadcast_in_dim3A_8 {strides = array<i32>} : memref<720xf32, #tpu.memory_space<vmem>>, vector<16xf32>,
    %swap3A_102 = arith.constant 368 : index
    %swap3A_103 = tpu.vector_load %arg12[%swap3A_102] {strides = array<i32>} : memref<720xf32, #tpu.memory_space<vmem>>, vector<16xf32>,
    tpu.vector_store %arg12[%swap3A_102], %broadcast_in_dim3A_8 {strides = array<i32>} : memref<720xf32, #tpu.memory_space<vmem>>, vector<16xf32>,
    %swap3A_104 = arith.constant 384 : index
    %swap3A_105 = tpu.vector_load %arg11[%swap3A_104] {strides = array<i32>} : memref<720xf32, #tpu.memory_space<vmem>>, vector<16xf32>,
    tpu.vector_store %arg11[%swap3A_104], %broadcast_in_dim3A_8 {strides = array<i32>} : memref<720xf32, #tpu.memory_space<vmem>>, vector<16xf32>,
    %swap3A_106 = arith.constant 384 : index
    %swap3A_107 = tpu.vector_load %arg12[%swap3A_106] {strides = array<i32>} : memref<720xf32, #tpu.memory_space<vmem>>, vector<16xf32>,
    tpu.vector_store %arg12[%swap3A_106], %broadcast_in_dim3A_8 {strides = array<i32>} : memref<720xf32, #tpu.memory_space<vmem>>, vector<16xf32>,
    %swap3A_108 = arith.constant 400 : index
    %swap3A_109 = tpu.vector_load %arg11[%swap3A_108] {strides = array<i32>} : memref<720xf32, #tpu.memory_space<vmem>>, vector<16xf32>,
    tpu.vector_store %arg11[%swap3A_108], %broadcast_in_dim3A_8 {strides = array<i32>} : memref<720xf32, #tpu.memory_space<vmem>>, vector<16xf32>,
    %swap3A_110 = arith.constant 400 : index
    %swap3A_111 = tpu.vector_load %arg12[%swap3A_110] {strides = array<i32>} : memref<720xf32, #tpu.memory_space<vmem>>, vector<16xf32>,
    tpu.vector_store %arg12[%swap3A_110], %broadcast_in_dim3A_8 {strides = array<i32>} : memref<720xf32, #tpu.memory_space<vmem>>, vector<16xf32>,
    %swap3A_112 = arith.constant 416 : index
    %swap3A_113 = tpu.vector_load %arg11[%swap3A_112] {strides = array<i32>} : memref<720xf32, #tpu.memory_space<vmem>>, vector<16xf32>,
    tpu.vector_store %arg11[%swap3A_112], %broadcast_in_dim3A_8 {strides = array<i32>} : memref<720xf32, #tpu.memory_space<vmem>>, vector<16xf32>,
    %swap3A_114 = arith.constant 416 : index
    %swap3A_115 = tpu.vector_load %arg12[%swap3A_114] {strides = array<i32>} : memref<720xf32, #tpu.memory_space<vmem>>, vector<16xf32>,
    tpu.vector_store %arg12[%swap3A_114], %broadcast_in_dim3A_8 {strides = array<i32>} : memref<720xf32, #tpu.memory_space<vmem>>, vector<16xf32>,
    %swap3A_116 = arith.constant 432 : index
    %swap3A_117 = tpu.vector_load %arg11[%swap3A_116] {strides = array<i32>} : memref<720xf32, #tpu.memory_space<vmem>>, vector<16xf32>,
    tpu.vector_store %arg11[%swap3A_116], %broadcast_in_dim3A_8 {strides = array<i32>} : memref<720xf32, #tpu.memory_space<vmem>>, vector<16xf32>,
    %swap3A_118 = arith.constant 432 : index
    %swap3A_119 = tpu.vector_load %arg12[%swap3A_118] {strides = array<i32>} : memref<720xf32, #tpu.memory_space<vmem>>, vector<16xf32>,
    tpu.vector_store %arg12[%swap3A_118], %broadcast_in_dim3A_8 {strides = array<i32>} : memref<720xf32, #tpu.memory_space<vmem>>, vector<16xf32>,
    %swap3A_120 = arith.constant 448 : index
    %swap3A_121 = tpu.vector_load %arg11[%swap3A_120] {strides = array<i32>} : memref<720xf32, #tpu.memory_space<vmem>>, vector<16xf32>,
    tpu.vector_store %arg11[%swap3A_120], %broadcast_in_dim3A_8 {strides = array<i32>} : memref<720xf32, #tpu.memory_space<vmem>>, vector<16xf32>,
    %swap3A_122 = arith.constant 448 : index
    %swap3A_123 = tpu.vector_load %arg12[%swap3A_122] {strides = array<i32>} : memref<720xf32, #tpu.memory_space<vmem>>, vector<16xf32>,
    tpu.vector_store %arg12[%swap3A_122], %broadcast_in_dim3A_8 {strides = array<i32>} : memref<720xf32, #tpu.memory_space<vmem>>, vector<16xf32>,
    %swap3A_124 = arith.constant 464 : index
    %swap3A_125 = tpu.vector_load %arg11[%swap3A_124] {strides = array<i32>} : memref<720xf32, #tpu.memory_space<vmem>>, vector<16xf32>,
    tpu.vector_store %arg11[%swap3A_124], %broadcast_in_dim3A_8 {strides = array<i32>} : memref<720xf32, #tpu.memory_space<vmem>>, vector<16xf32>,
    %swap3A_126 = arith.constant 464 : index
    %swap3A_127 = tpu.vector_load %arg12[%swap3A_126] {strides = array<i32>} : memref<720xf32, #tpu.memory_space<vmem>>, vector<16xf32>,
    tpu.vector_store %arg12[%swap3A_126], %broadcast_in_dim3A_8 {strides = array<i32>} : memref<720xf32, #tpu.memory_space<vmem>>, vector<16xf32>,
    %swap3A_128 = arith.constant 480 : index
    %swap3A_129 = tpu.vector_load %arg11[%swap3A_128] {strides = array<i32>} : memref<720xf32, #tpu.memory_space<vmem>>, vector<16xf32>,
    tpu.vector_store %arg11[%swap3A_128], %broadcast_in_dim3A_8 {strides = array<i32>} : memref<720xf32, #tpu.memory_space<vmem>>, vector<16xf32>,
    %swap3A_130 = arith.constant 480 : index
    %swap3A_131 = tpu.vector_load %arg12[%swap3A_130] {strides = array<i32>} : memref<720xf32, #tpu.memory_space<vmem>>, vector<16xf32>,
    tpu.vector_store %arg12[%swap3A_130], %broadcast_in_dim3A_8 {strides = array<i32>} : memref<720xf32, #tpu.memory_space<vmem>>, vector<16xf32>,
    %swap3A_132 = arith.constant 496 : index
    %swap3A_133 = tpu.vector_load %arg11[%swap3A_132] {strides = array<i32>} : memref<720xf32, #tpu.memory_space<vmem>>, vector<16xf32>,
    tpu.vector_store %arg11[%swap3A_132], %broadcast_in_dim3A_8 {strides = array<i32>} : memref<720xf32, #tpu.memory_space<vmem>>, vector<16xf32>,
    %swap3A_134 = arith.constant 496 : index
    %swap3A_135 = tpu.vector_load %arg12[%swap3A_134] {strides = array<i32>} : memref<720xf32, #tpu.memory_space<vmem>>, vector<16xf32>,
    tpu.vector_store %arg12[%swap3A_134], %broadcast_in_dim3A_8 {strides = array<i32>} : memref<720xf32, #tpu.memory_space<vmem>>, vector<16xf32>,
    %swap3A_136 = arith.constant 512 : index
    %swap3A_137 = tpu.vector_load %arg11[%swap3A_136] {strides = array<i32>} : memref<720xf32, #tpu.memory_space<vmem>>, vector<16xf32>,
    tpu.vector_store %arg11[%swap3A_136], %broadcast_in_dim3A_8 {strides = array<i32>} : memref<720xf32, #tpu.memory_space<vmem>>, vector<16xf32>,
    %swap3A_138 = arith.constant 512 : index
    %swap3A_139 = tpu.vector_load %arg12[%swap3A_138] {strides = array<i32>} : memref<720xf32, #tpu.memory_space<vmem>>, vector<16xf32>,
    tpu.vector_store %arg12[%swap3A_138], %broadcast_in_dim3A_8 {strides = array<i32>} : memref<720xf32, #tpu.memory_space<vmem>>, vector<16xf32>,
    %swap3A_140 = arith.constant 528 : index
    %swap3A_141 = tpu.vector_load %arg11[%swap3A_140] {strides = array<i32>} : memref<720xf32, #tpu.memory_space<vmem>>, vector<16xf32>,
    tpu.vector_store %arg11[%swap3A_140], %broadcast_in_dim3A_8 {strides = array<i32>} : memref<720xf32, #tpu.memory_space<vmem>>, vector<16xf32>,
    %swap3A_142 = arith.constant 528 : index
    %swap3A_143 = tpu.vector_load %arg12[%swap3A_142] {strides = array<i32>} : memref<720xf32, #tpu.memory_space<vmem>>, vector<16xf32>,
    tpu.vector_store %arg12[%swap3A_142], %broadcast_in_dim3A_8 {strides = array<i32>} : memref<720xf32, #tpu.memory_space<vmem>>, vector<16xf32>,
    %swap3A_144 = arith.constant 544 : index
    %swap3A_145 = tpu.vector_load %arg11[%swap3A_144] {strides = array<i32>} : memref<720xf32, #tpu.memory_space<vmem>>, vector<16xf32>,
    tpu.vector_store %arg11[%swap3A_144], %broadcast_in_dim3A_8 {strides = array<i32>} : memref<720xf32, #tpu.memory_space<vmem>>, vector<16xf32>,
    %swap3A_146 = arith.constant 544 : index
    %swap3A_147 = tpu.vector_load %arg12[%swap3A_146] {strides = array<i32>} : memref<720xf32, #tpu.memory_space<vmem>>, vector<16xf32>,
    tpu.vector_store %arg12[%swap3A_146], %broadcast_in_dim3A_8 {strides = array<i32>} : memref<720xf32, #tpu.memory_space<vmem>>, vector<16xf32>,
    %swap3A_148 = arith.constant 560 : index
    %swap3A_149 = tpu.vector_load %arg11[%swap3A_148] {strides = array<i32>} : memref<720xf32, #tpu.memory_space<vmem>>, vector<16xf32>,
    tpu.vector_store %arg11[%swap3A_148], %broadcast_in_dim3A_8 {strides = array<i32>} : memref<720xf32, #tpu.memory_space<vmem>>, vector<16xf32>,
    %swap3A_150 = arith.constant 560 : index
    %swap3A_151 = tpu.vector_load %arg12[%swap3A_150] {strides = array<i32>} : memref<720xf32, #tpu.memory_space<vmem>>, vector<16xf32>,
    tpu.vector_store %arg12[%swap3A_150], %broadcast_in_dim3A_8 {strides = array<i32>} : memref<720xf32, #tpu.memory_space<vmem>>, vector<16xf32>,
    %swap3A_152 = arith.constant 576 : index
    %swap3A_153 = tpu.vector_load %arg11[%swap3A_152] {strides = array<i32>} : memref<720xf32, #tpu.memory_space<vmem>>, vector<16xf32>,
    tpu.vector_store %arg11[%swap3A_152], %broadcast_in_dim3A_8 {strides = array<i32>} : memref<720xf32, #tpu.memory_space<vmem>>, vector<16xf32>,
    %swap3A_154 = arith.constant 576 : index
    %swap3A_155 = tpu.vector_load %arg12[%swap3A_154] {strides = array<i32>} : memref<720xf32, #tpu.memory_space<vmem>>, vector<16xf32>,
    tpu.vector_store %arg12[%swap3A_154], %broadcast_in_dim3A_8 {strides = array<i32>} : memref<720xf32, #tpu.memory_space<vmem>>, vector<16xf32>,
    %swap3A_156 = arith.constant 592 : index
    %swap3A_157 = tpu.vector_load %arg11[%swap3A_156] {strides = array<i32>} : memref<720xf32, #tpu.memory_space<vmem>>, vector<16xf32>,
    tpu.vector_store %arg11[%swap3A_156], %broadcast_in_dim3A_8 {strides = array<i32>} : memref<720xf32, #tpu.memory_space<vmem>>, vector<16xf32>,
    %swap3A_158 = arith.constant 592 : index
    %swap3A_159 = tpu.vector_load %arg12[%swap3A_158] {strides = array<i32>} : memref<720xf32, #tpu.memory_space<vmem>>, vector<16xf32>,
    tpu.vector_store %arg12[%swap3A_158], %broadcast_in_dim3A_8 {strides = array<i32>} : memref<720xf32, #tpu.memory_space<vmem>>, vector<16xf32>,
    %swap3A_160 = arith.constant 608 : index
    %swap3A_161 = tpu.vector_load %arg11[%swap3A_160] {strides = array<i32>} : memref<720xf32, #tpu.memory_space<vmem>>, vector<16xf32>,
    tpu.vector_store %arg11[%swap3A_160], %broadcast_in_dim3A_8 {strides = array<i32>} : memref<720xf32, #tpu.memory_space<vmem>>, vector<16xf32>,
    %swap3A_162 = arith.constant 608 : index
    %swap3A_163 = tpu.vector_load %arg12[%swap3A_162] {strides = array<i32>} : memref<720xf32, #tpu.memory_space<vmem>>, vector<16xf32>,
    tpu.vector_store %arg12[%swap3A_162], %broadcast_in_dim3A_8 {strides = array<i32>} : memref<720xf32, #tpu.memory_space<vmem>>, vector<16xf32>,
    %swap3A_164 = arith.constant 624 : index
    %swap3A_165 = tpu.vector_load %arg11[%swap3A_164] {strides = array<i32>} : memref<720xf32, #tpu.memory_space<vmem>>, vector<16xf32>,
    tpu.vector_store %arg11[%swap3A_164], %broadcast_in_dim3A_8 {strides = array<i32>} : memref<720xf32, #tpu.memory_space<vmem>>, vector<16xf32>,
    %swap3A_166 = arith.constant 624 : index
    %swap3A_167 = tpu.vector_load %arg12[%swap3A_166] {strides = array<i32>} : memref<720xf32, #tpu.memory_space<vmem>>, vector<16xf32>,
    tpu.vector_store %arg12[%swap3A_166], %broadcast_in_dim3A_8 {strides = array<i32>} : memref<720xf32, #tpu.memory_space<vmem>>, vector<16xf32>,
    %swap3A_168 = arith.constant 640 : index
    %swap3A_169 = tpu.vector_load %arg11[%swap3A_168] {strides = array<i32>} : memref<720xf32, #tpu.memory_space<vmem>>, vector<16xf32>,
    tpu.vector_store %arg11[%swap3A_168], %broadcast_in_dim3A_8 {strides = array<i32>} : memref<720xf32, #tpu.memory_space<vmem>>, vector<16xf32>,
    %swap3A_170 = arith.constant 640 : index
    %swap3A_171 = tpu.vector_load %arg12[%swap3A_170] {strides = array<i32>} : memref<720xf32, #tpu.memory_space<vmem>>, vector<16xf32>,
    tpu.vector_store %arg12[%swap3A_170], %broadcast_in_dim3A_8 {strides = array<i32>} : memref<720xf32, #tpu.memory_space<vmem>>, vector<16xf32>,
    %swap3A_172 = arith.constant 656 : index
    %swap3A_173 = tpu.vector_load %arg11[%swap3A_172] {strides = array<i32>} : memref<720xf32, #tpu.memory_space<vmem>>, vector<16xf32>,
    tpu.vector_store %arg11[%swap3A_172], %broadcast_in_dim3A_8 {strides = array<i32>} : memref<720xf32, #tpu.memory_space<vmem>>, vector<16xf32>,
    %swap3A_174 = arith.constant 656 : index
    %swap3A_175 = tpu.vector_load %arg12[%swap3A_174] {strides = array<i32>} : memref<720xf32, #tpu.memory_space<vmem>>, vector<16xf32>,
    tpu.vector_store %arg12[%swap3A_174], %broadcast_in_dim3A_8 {strides = array<i32>} : memref<720xf32, #tpu.memory_space<vmem>>, vector<16xf32>,
    %swap3A_176 = arith.constant 672 : index
    %swap3A_177 = tpu.vector_load %arg11[%swap3A_176] {strides = array<i32>} : memref<720xf32, #tpu.memory_space<vmem>>, vector<16xf32>,
    tpu.vector_store %arg11[%swap3A_176], %broadcast_in_dim3A_8 {strides = array<i32>} : memref<720xf32, #tpu.memory_space<vmem>>, vector<16xf32>,
    %swap3A_178 = arith.constant 672 : index
    %swap3A_179 = tpu.vector_load %arg12[%swap3A_178] {strides = array<i32>} : memref<720xf32, #tpu.memory_space<vmem>>, vector<16xf32>,
    tpu.vector_store %arg12[%swap3A_178], %broadcast_in_dim3A_8 {strides = array<i32>} : memref<720xf32, #tpu.memory_space<vmem>>, vector<16xf32>,
    %swap3A_180 = arith.constant 688 : index
    %swap3A_181 = tpu.vector_load %arg11[%swap3A_180] {strides = array<i32>} : memref<720xf32, #tpu.memory_space<vmem>>, vector<16xf32>,
    tpu.vector_store %arg11[%swap3A_180], %broadcast_in_dim3A_8 {strides = array<i32>} : memref<720xf32, #tpu.memory_space<vmem>>, vector<16xf32>,
    %swap3A_182 = arith.constant 688 : index
    %swap3A_183 = tpu.vector_load %arg12[%swap3A_182] {strides = array<i32>} : memref<720xf32, #tpu.memory_space<vmem>>, vector<16xf32>,
    tpu.vector_store %arg12[%swap3A_182], %broadcast_in_dim3A_8 {strides = array<i32>} : memref<720xf32, #tpu.memory_space<vmem>>, vector<16xf32>,
    %swap3A_184 = arith.constant 704 : index
    %swap3A_185 = tpu.vector_load %arg11[%swap3A_184] {strides = array<i32>} : memref<720xf32, #tpu.memory_space<vmem>>, vector<16xf32>,
    tpu.vector_store %arg11[%swap3A_184], %broadcast_in_dim3A_8 {strides = array<i32>} : memref<720xf32, #tpu.memory_space<vmem>>, vector<16xf32>,
    %swap3A_186 = arith.constant 704 : index
    %swap3A_187 = tpu.vector_load %arg12[%swap3A_186] {strides = array<i32>} : memref<720xf32, #tpu.memory_space<vmem>>, vector<16xf32>,
    tpu.vector_store %arg12[%swap3A_186], %broadcast_in_dim3A_8 {strides = array<i32>} : memref<720xf32, #tpu.memory_space<vmem>>, vector<16xf32>,
    %dma_wait3A = tpu.memref_slice %arg2[%mul3A_2] : memref<102400xf32, #tpu.memory_space<hbm>> -> memref<3200xf32, #tpu.memory_space<hbm>>
    %dma_wait3A_188 = tpu.memref_slice %arg2[%mul3A_2] : memref<102400xf32, #tpu.memory_space<hbm>> -> memref<3200xf32, #tpu.memory_space<hbm>>
    tpu.wait_dma2 semaphore(%arg13 : memref<!tpu.dma_semaphore, #tpu.memory_space<semaphore_mem>>) src(%dma_wait3A_188 : memref<3200xf32, #tpu.memory_space<hbm>>) dst(%arg7 : memref<3200xf32, #tpu.memory_space<vmem>>)
    %broadcast_in_dim3A_189 = arith.constant 0xFF800000 : f32
    %broadcast_in_dim3A_190 = vector.broadcast %broadcast_in_dim3A_189 : f32 to vector<16xf32>
    %scan3A = arith.constant 0 : i32
    %scan3A_191 = arith.constant 50 : i32
    %scan3A_192 = arith.addi %scan3A, %scan3A_191 : i32
    %scan3A_193 = arith.constant 1 : i32
    %scan3A_194:4 = scf.for %scan3A_216 = %scan3A to %scan3A_192 step %scan3A_193 iter_args(%scan3A_217 = %broadcast_in_dim3A_190, %scan3A_218 = %broadcast_in_dim3A_190, %scan3A_219 = %broadcast_in_dim3A_190, %scan3A_220 = %broadcast_in_dim3A_190) -> (vector<16xf32>, vector<16xf32>, vector<16xf32>, vector<16xf32>)  : i32 {
      %mul3A_221 = arith.constant 4 : i32
      %mul3A_222 = arith.muli %mul3A_221, %scan3A_216 : i32
      %add3A_223 = arith.constant 0 : i32
      %add3A_224 = arith.addi %mul3A_222, %add3A_223 : i32
      %mul3A_225 = arith.constant 16 : i32
      %mul3A_226 = arith.muli %add3A_224, %mul3A_225 : i32
      %get3A = arith.index_cast %mul3A_226 : i32 to index
      %get3A_227 = tpu.vector_load %arg7[%get3A] {strides = array<i32>} : memref<3200xf32, #tpu.memory_space<vmem>>, vector<16xf32>,
      %max3A_228 = arith.maximumf %scan3A_217, %get3A_227 : vector<16xf32>
      %mul3A_229 = arith.constant 4 : i32
      %mul3A_230 = arith.muli %mul3A_229, %scan3A_216 : i32
      %add3A_231 = arith.constant 1 : i32
      %add3A_232 = arith.addi %mul3A_230, %add3A_231 : i32
      %mul3A_233 = arith.constant 16 : i32
      %mul3A_234 = arith.muli %add3A_232, %mul3A_233 : i32
      %get3A_235 = arith.index_cast %mul3A_234 : i32 to index
      %get3A_236 = tpu.vector_load %arg7[%get3A_235] {strides = array<i32>} : memref<3200xf32, #tpu.memory_space<vmem>>, vector<16xf32>,
      %max3A_237 = arith.maximumf %scan3A_218, %get3A_236 : vector<16xf32>
      %mul3A_238 = arith.constant 4 : i32
      %mul3A_239 = arith.muli %mul3A_238, %scan3A_216 : i32
      %add3A_240 = arith.constant 2 : i32
      %add3A_241 = arith.addi %mul3A_239, %add3A_240 : i32
      %mul3A_242 = arith.constant 16 : i32
      %mul3A_243 = arith.muli %add3A_241, %mul3A_242 : i32
      %get3A_244 = arith.index_cast %mul3A_243 : i32 to index
      %get3A_245 = tpu.vector_load %arg7[%get3A_244] {strides = array<i32>} : memref<3200xf32, #tpu.memory_space<vmem>>, vector<16xf32>,
      %max3A_246 = arith.maximumf %scan3A_219, %get3A_245 : vector<16xf32>
      %mul3A_247 = arith.constant 4 : i32
      %mul3A_248 = arith.muli %mul3A_247, %scan3A_216 : i32
      %add3A_249 = arith.constant 3 : i32
      %add3A_250 = arith.addi %mul3A_248, %add3A_249 : i32
      %mul3A_251 = arith.constant 16 : i32
      %mul3A_252 = arith.muli %add3A_250, %mul3A_251 : i32
      %get3A_253 = arith.index_cast %mul3A_252 : i32 to index
      %get3A_254 = tpu.vector_load %arg7[%get3A_253] {strides = array<i32>} : memref<3200xf32, #tpu.memory_space<vmem>>, vector<16xf32>,
      %max3A_255 = arith.maximumf %scan3A_220, %get3A_254 : vector<16xf32>
      scf.yield %max3A_228, %max3A_237, %max3A_246, %max3A_255 : vector<16xf32>, vector<16xf32>, vector<16xf32>, vector<16xf32>
    }
    %scan3A_195 = arith.constant 50 : i32
    %max3A = arith.maximumf %scan3A_194#0, %scan3A_194#1 : vector<16xf32>
    %max3A_196 = arith.maximumf %max3A, %scan3A_194#2 : vector<16xf32>
    %max3A_197 = arith.maximumf %max3A_196, %scan3A_194#3 : vector<16xf32>
    %reduce_max3A = arith.constant true
    %reduce_max3A_198 = vector.broadcast %reduce_max3A : i1 to vector<16xi1>
    %reduce_max3A_199 = tpu.scan <max>, %max3A_197 masked %reduce_max3A_198 : vector<16xf32>, vector<16xi1> -> vector<16xf32>
    %reduce_max3A_200 = vector.extract %reduce_max3A_199[15] : f32 from vector<16xf32>
    %broadcast_in_dim3A_201 = vector.broadcast %reduce_max3A_200 : f32 to vector<16xf32>
    %swap3A_202 = arith.constant 0 : index
    %swap3A_203 = tpu.vector_load %arg10[%swap3A_202] {strides = array<i32>} : memref<16xf32, #tpu.memory_space<vmem>>, vector<16xf32>,
    tpu.vector_store %arg10[%swap3A_202], %broadcast_in_dim3A_201 {strides = array<i32>} : memref<16xf32, #tpu.memory_space<vmem>>, vector<16xf32>,
    %dma_wait3A_204 = tpu.memref_slice %arg3[%mul3A_2] : memref<102400xf32, #tpu.memory_space<hbm>> -> memref<3200xf32, #tpu.memory_space<hbm>>
    %dma_wait3A_205 = tpu.memref_slice %arg3[%mul3A_2] : memref<102400xf32, #tpu.memory_space<hbm>> -> memref<3200xf32, #tpu.memory_space<hbm>>
    tpu.wait_dma2 semaphore(%arg14 : memref<!tpu.dma_semaphore, #tpu.memory_space<semaphore_mem>>) src(%dma_wait3A_205 : memref<3200xf32, #tpu.memory_space<hbm>>) dst(%arg8 : memref<3200xf32, #tpu.memory_space<vmem>>)
    %dma_wait3A_206 = tpu.memref_slice %arg4[%mul3A_2] : memref<102400xi32, #tpu.memory_space<hbm>> -> memref<3200xi32, #tpu.memory_space<hbm>>
    %dma_wait3A_207 = tpu.memref_slice %arg4[%mul3A_2] : memref<102400xi32, #tpu.memory_space<hbm>> -> memref<3200xi32, #tpu.memory_space<hbm>>
    tpu.wait_dma2 semaphore(%arg15 : memref<!tpu.dma_semaphore, #tpu.memory_space<semaphore_mem>>) src(%dma_wait3A_207 : memref<3200xi32, #tpu.memory_space<hbm>>) dst(%arg9 : memref<3200xi32, #tpu.memory_space<vmem>>)
    %scan3A_208 = arith.constant 0 : i32
    %scan3A_209 = arith.constant 0 : i32
    %scan3A_210 = arith.constant 25 : i32
    %scan3A_211 = arith.addi %scan3A_209, %scan3A_210 : i32
    %scan3A_212 = arith.constant 1 : i32
    scf.for %scan3A_216 = %scan3A_209 to %scan3A_211 step %scan3A_212  : i32 {
      %mul3A_217 = arith.constant 8 : i32
      %mul3A_218 = arith.muli %mul3A_217, %scan3A_216 : i32
      %add3A_219 = arith.constant 0 : i32
      %add3A_220 = arith.addi %mul3A_218, %add3A_219 : i32
      %mul3A_221 = arith.constant 16 : i32
      %mul3A_222 = arith.muli %add3A_220, %mul3A_221 : i32
      %get3A = arith.index_cast %mul3A_222 : i32 to index
      %get3A_223 = tpu.vector_load %arg9[%get3A] {strides = array<i32>} : memref<3200xi32, #tpu.memory_space<vmem>>, vector<16xi32>,
      %get3A_224 = arith.index_cast %mul3A_222 : i32 to index
      %get3A_225 = tpu.vector_load %arg7[%get3A_224] {strides = array<i32>} : memref<3200xf32, #tpu.memory_space<vmem>>, vector<16xf32>,
      %sub3A = arith.subf %get3A_225, %broadcast_in_dim3A_201 : vector<16xf32>
      %exp3A = math.exp %sub3A : vector<16xf32>
      tpu.vector_store_idx %arg11[%get3A_223], %exp3A {add = true} : memref<720xf32, #tpu.memory_space<vmem>>[vector<16xi32>], vector<16xf32>,
      %get3A_226 = arith.index_cast %mul3A_222 : i32 to index
      %get3A_227 = tpu.vector_load %arg8[%get3A_226] {strides = array<i32>} : memref<3200xf32, #tpu.memory_space<vmem>>, vector<16xf32>,
      %mul3A_228 = arith.mulf %exp3A, %get3A_227 : vector<16xf32>
      tpu.vector_store_idx %arg12[%get3A_223], %mul3A_228 {add = true} : memref<720xf32, #tpu.memory_space<vmem>>[vector<16xi32>], vector<16xf32>,
      %mul3A_229 = arith.constant 8 : i32
      %mul3A_230 = arith.muli %mul3A_229, %scan3A_216 : i32
      %add3A_231 = arith.constant 1 : i32
      %add3A_232 = arith.addi %mul3A_230, %add3A_231 : i32
      %mul3A_233 = arith.constant 16 : i32
      %mul3A_234 = arith.muli %add3A_232, %mul3A_233 : i32
      %get3A_235 = arith.index_cast %mul3A_234 : i32 to index
      %get3A_236 = tpu.vector_load %arg9[%get3A_235] {strides = array<i32>} : memref<3200xi32, #tpu.memory_space<vmem>>, vector<16xi32>,
      %get3A_237 = arith.index_cast %mul3A_234 : i32 to index
      %get3A_238 = tpu.vector_load %arg7[%get3A_237] {strides = array<i32>} : memref<3200xf32, #tpu.memory_space<vmem>>, vector<16xf32>,
      %sub3A_239 = arith.subf %get3A_238, %broadcast_in_dim3A_201 : vector<16xf32>
      %exp3A_240 = math.exp %sub3A_239 : vector<16xf32>
      tpu.vector_store_idx %arg11[%get3A_236], %exp3A_240 {add = true} : memref<720xf32, #tpu.memory_space<vmem>>[vector<16xi32>], vector<16xf32>,
      %get3A_241 = arith.index_cast %mul3A_234 : i32 to index
      %get3A_242 = tpu.vector_load %arg8[%get3A_241] {strides = array<i32>} : memref<3200xf32, #tpu.memory_space<vmem>>, vector<16xf32>,
      %mul3A_243 = arith.mulf %exp3A_240, %get3A_242 : vector<16xf32>
      tpu.vector_store_idx %arg12[%get3A_236], %mul3A_243 {add = true} : memref<720xf32, #tpu.memory_space<vmem>>[vector<16xi32>], vector<16xf32>,
      %mul3A_244 = arith.constant 8 : i32
      %mul3A_245 = arith.muli %mul3A_244, %scan3A_216 : i32
      %add3A_246 = arith.constant 2 : i32
      %add3A_247 = arith.addi %mul3A_245, %add3A_246 : i32
      %mul3A_248 = arith.constant 16 : i32
      %mul3A_249 = arith.muli %add3A_247, %mul3A_248 : i32
      %get3A_250 = arith.index_cast %mul3A_249 : i32 to index
      %get3A_251 = tpu.vector_load %arg9[%get3A_250] {strides = array<i32>} : memref<3200xi32, #tpu.memory_space<vmem>>, vector<16xi32>,
      %get3A_252 = arith.index_cast %mul3A_249 : i32 to index
      %get3A_253 = tpu.vector_load %arg7[%get3A_252] {strides = array<i32>} : memref<3200xf32, #tpu.memory_space<vmem>>, vector<16xf32>,
      %sub3A_254 = arith.subf %get3A_253, %broadcast_in_dim3A_201 : vector<16xf32>
      %exp3A_255 = math.exp %sub3A_254 : vector<16xf32>
      tpu.vector_store_idx %arg11[%get3A_251], %exp3A_255 {add = true} : memref<720xf32, #tpu.memory_space<vmem>>[vector<16xi32>], vector<16xf32>,
      %get3A_256 = arith.index_cast %mul3A_249 : i32 to index
      %get3A_257 = tpu.vector_load %arg8[%get3A_256] {strides = array<i32>} : memref<3200xf32, #tpu.memory_space<vmem>>, vector<16xf32>,
      %mul3A_258 = arith.mulf %exp3A_255, %get3A_257 : vector<16xf32>
      tpu.vector_store_idx %arg12[%get3A_251], %mul3A_258 {add = true} : memref<720xf32, #tpu.memory_space<vmem>>[vector<16xi32>], vector<16xf32>,
      %mul3A_259 = arith.constant 8 : i32
      %mul3A_260 = arith.muli %mul3A_259, %scan3A_216 : i32
      %add3A_261 = arith.constant 3 : i32
      %add3A_262 = arith.addi %mul3A_260, %add3A_261 : i32
      %mul3A_263 = arith.constant 16 : i32
      %mul3A_264 = arith.muli %add3A_262, %mul3A_263 : i32
      %get3A_265 = arith.index_cast %mul3A_264 : i32 to index
      %get3A_266 = tpu.vector_load %arg9[%get3A_265] {strides = array<i32>} : memref<3200xi32, #tpu.memory_space<vmem>>, vector<16xi32>,
      %get3A_267 = arith.index_cast %mul3A_264 : i32 to index
      %get3A_268 = tpu.vector_load %arg7[%get3A_267] {strides = array<i32>} : memref<3200xf32, #tpu.memory_space<vmem>>, vector<16xf32>,
      %sub3A_269 = arith.subf %get3A_268, %broadcast_in_dim3A_201 : vector<16xf32>
      %exp3A_270 = math.exp %sub3A_269 : vector<16xf32>
      tpu.vector_store_idx %arg11[%get3A_266], %exp3A_270 {add = true} : memref<720xf32, #tpu.memory_space<vmem>>[vector<16xi32>], vector<16xf32>,
      %get3A_271 = arith.index_cast %mul3A_264 : i32 to index
      %get3A_272 = tpu.vector_load %arg8[%get3A_271] {strides = array<i32>} : memref<3200xf32, #tpu.memory_space<vmem>>, vector<16xf32>,
      %mul3A_273 = arith.mulf %exp3A_270, %get3A_272 : vector<16xf32>
      tpu.vector_store_idx %arg12[%get3A_266], %mul3A_273 {add = true} : memref<720xf32, #tpu.memory_space<vmem>>[vector<16xi32>], vector<16xf32>,
      %mul3A_274 = arith.constant 8 : i32
      %mul3A_275 = arith.muli %mul3A_274, %scan3A_216 : i32
      %add3A_276 = arith.constant 4 : i32
      %add3A_277 = arith.addi %mul3A_275, %add3A_276 : i32
      %mul3A_278 = arith.constant 16 : i32
      %mul3A_279 = arith.muli %add3A_277, %mul3A_278 : i32
      %get3A_280 = arith.index_cast %mul3A_279 : i32 to index
      %get3A_281 = tpu.vector_load %arg9[%get3A_280] {strides = array<i32>} : memref<3200xi32, #tpu.memory_space<vmem>>, vector<16xi32>,
      %get3A_282 = arith.index_cast %mul3A_279 : i32 to index
      %get3A_283 = tpu.vector_load %arg7[%get3A_282] {strides = array<i32>} : memref<3200xf32, #tpu.memory_space<vmem>>, vector<16xf32>,
      %sub3A_284 = arith.subf %get3A_283, %broadcast_in_dim3A_201 : vector<16xf32>
      %exp3A_285 = math.exp %sub3A_284 : vector<16xf32>
      tpu.vector_store_idx %arg11[%get3A_281], %exp3A_285 {add = true} : memref<720xf32, #tpu.memory_space<vmem>>[vector<16xi32>], vector<16xf32>,
      %get3A_286 = arith.index_cast %mul3A_279 : i32 to index
      %get3A_287 = tpu.vector_load %arg8[%get3A_286] {strides = array<i32>} : memref<3200xf32, #tpu.memory_space<vmem>>, vector<16xf32>,
      %mul3A_288 = arith.mulf %exp3A_285, %get3A_287 : vector<16xf32>
      tpu.vector_store_idx %arg12[%get3A_281], %mul3A_288 {add = true} : memref<720xf32, #tpu.memory_space<vmem>>[vector<16xi32>], vector<16xf32>,
      %mul3A_289 = arith.constant 8 : i32
      %mul3A_290 = arith.muli %mul3A_289, %scan3A_216 : i32
      %add3A_291 = arith.constant 5 : i32
      %add3A_292 = arith.addi %mul3A_290, %add3A_291 : i32
      %mul3A_293 = arith.constant 16 : i32
      %mul3A_294 = arith.muli %add3A_292, %mul3A_293 : i32
      %get3A_295 = arith.index_cast %mul3A_294 : i32 to index
      %get3A_296 = tpu.vector_load %arg9[%get3A_295] {strides = array<i32>} : memref<3200xi32, #tpu.memory_space<vmem>>, vector<16xi32>,
      %get3A_297 = arith.index_cast %mul3A_294 : i32 to index
      %get3A_298 = tpu.vector_load %arg7[%get3A_297] {strides = array<i32>} : memref<3200xf32, #tpu.memory_space<vmem>>, vector<16xf32>,
      %sub3A_299 = arith.subf %get3A_298, %broadcast_in_dim3A_201 : vector<16xf32>
      %exp3A_300 = math.exp %sub3A_299 : vector<16xf32>
      tpu.vector_store_idx %arg11[%get3A_296], %exp3A_300 {add = true} : memref<720xf32, #tpu.memory_space<vmem>>[vector<16xi32>], vector<16xf32>,
      %get3A_301 = arith.index_cast %mul3A_294 : i32 to index
      %get3A_302 = tpu.vector_load %arg8[%get3A_301] {strides = array<i32>} : memref<3200xf32, #tpu.memory_space<vmem>>, vector<16xf32>,
      %mul3A_303 = arith.mulf %exp3A_300, %get3A_302 : vector<16xf32>
      tpu.vector_store_idx %arg12[%get3A_296], %mul3A_303 {add = true} : memref<720xf32, #tpu.memory_space<vmem>>[vector<16xi32>], vector<16xf32>,
      %mul3A_304 = arith.constant 8 : i32
      %mul3A_305 = arith.muli %mul3A_304, %scan3A_216 : i32
      %add3A_306 = arith.constant 6 : i32
      %add3A_307 = arith.addi %mul3A_305, %add3A_306 : i32
      %mul3A_308 = arith.constant 16 : i32
      %mul3A_309 = arith.muli %add3A_307, %mul3A_308 : i32
      %get3A_310 = arith.index_cast %mul3A_309 : i32 to index
      %get3A_311 = tpu.vector_load %arg9[%get3A_310] {strides = array<i32>} : memref<3200xi32, #tpu.memory_space<vmem>>, vector<16xi32>,
      %get3A_312 = arith.index_cast %mul3A_309 : i32 to index
      %get3A_313 = tpu.vector_load %arg7[%get3A_312] {strides = array<i32>} : memref<3200xf32, #tpu.memory_space<vmem>>, vector<16xf32>,
      %sub3A_314 = arith.subf %get3A_313, %broadcast_in_dim3A_201 : vector<16xf32>
      %exp3A_315 = math.exp %sub3A_314 : vector<16xf32>
      tpu.vector_store_idx %arg11[%get3A_311], %exp3A_315 {add = true} : memref<720xf32, #tpu.memory_space<vmem>>[vector<16xi32>], vector<16xf32>,
      %get3A_316 = arith.index_cast %mul3A_309 : i32 to index
      %get3A_317 = tpu.vector_load %arg8[%get3A_316] {strides = array<i32>} : memref<3200xf32, #tpu.memory_space<vmem>>, vector<16xf32>,
      %mul3A_318 = arith.mulf %exp3A_315, %get3A_317 : vector<16xf32>
      tpu.vector_store_idx %arg12[%get3A_311], %mul3A_318 {add = true} : memref<720xf32, #tpu.memory_space<vmem>>[vector<16xi32>], vector<16xf32>,
      %mul3A_319 = arith.constant 8 : i32
      %mul3A_320 = arith.muli %mul3A_319, %scan3A_216 : i32
      %add3A_321 = arith.constant 7 : i32
      %add3A_322 = arith.addi %mul3A_320, %add3A_321 : i32
      %mul3A_323 = arith.constant 16 : i32
      %mul3A_324 = arith.muli %add3A_322, %mul3A_323 : i32
      %get3A_325 = arith.index_cast %mul3A_324 : i32 to index
      %get3A_326 = tpu.vector_load %arg9[%get3A_325] {strides = array<i32>} : memref<3200xi32, #tpu.memory_space<vmem>>, vector<16xi32>,
      %get3A_327 = arith.index_cast %mul3A_324 : i32 to index
      %get3A_328 = tpu.vector_load %arg7[%get3A_327] {strides = array<i32>} : memref<3200xf32, #tpu.memory_space<vmem>>, vector<16xf32>,
      %sub3A_329 = arith.subf %get3A_328, %broadcast_in_dim3A_201 : vector<16xf32>
      %exp3A_330 = math.exp %sub3A_329 : vector<16xf32>
      tpu.vector_store_idx %arg11[%get3A_326], %exp3A_330 {add = true} : memref<720xf32, #tpu.memory_space<vmem>>[vector<16xi32>], vector<16xf32>,
      %get3A_331 = arith.index_cast %mul3A_324 : i32 to index
      %get3A_332 = tpu.vector_load %arg8[%get3A_331] {strides = array<i32>} : memref<3200xf32, #tpu.memory_space<vmem>>, vector<16xf32>,
      %mul3A_333 = arith.mulf %exp3A_330, %get3A_332 : vector<16xf32>
      tpu.vector_store_idx %arg12[%get3A_326], %mul3A_333 {add = true} : memref<720xf32, #tpu.memory_space<vmem>>[vector<16xi32>], vector<16xf32>,
    }
    %scan3A_213 = arith.constant 25 : i32
    %swap3A_214 = arith.constant 704 : index
    %swap3A_215 = tpu.vector_load %arg11[%swap3A_214] {strides = array<i32>} : memref<720xf32, #tpu.memory_space<vmem>>, vector<16xf32>,
    tpu.vector_store %arg11[%swap3A_214], %broadcast_in_dim3A_201 {strides = array<i32>} : memref<720xf32, #tpu.memory_space<vmem>>, vector<16xf32>,
    "tpu.region"() ({
      %run_scoped3A = tpu.sem_alloc : memref<!tpu.dma_semaphore, #tpu.memory_space<semaphore_mem>>
      %dma_start3A_216 = arith.constant 0 : i32
      %dma_start3A_217 = tpu.memref_slice %arg5[%add3A, %dma_start3A_216] : memref<32x720xf32, #tpu.memory_space<hbm>> -> memref<1x720xf32, #tpu.memory_space<hbm>>
      %dma_start3A_218 = tpu.memref_squeeze %dma_start3A_217 : memref<1x720xf32, #tpu.memory_space<hbm>> -> memref<720xf32, #tpu.memory_space<hbm>>
      %dma_start3A_219 = arith.constant 0 : i32
      %dma_start3A_220 = tpu.memref_slice %arg5[%add3A, %dma_start3A_219] : memref<32x720xf32, #tpu.memory_space<hbm>> -> memref<1x720xf32, #tpu.memory_space<hbm>>
      %dma_start3A_221 = tpu.memref_squeeze %dma_start3A_220 : memref<1x720xf32, #tpu.memory_space<hbm>> -> memref<720xf32, #tpu.memory_space<hbm>>
      tpu.enqueue_dma source(%arg11 : memref<720xf32, #tpu.memory_space<vmem>>) target(%dma_start3A_221 : memref<720xf32, #tpu.memory_space<hbm>>) target_semaphore(%run_scoped3A : memref<!tpu.dma_semaphore, #tpu.memory_space<semaphore_mem>>)
      %dma_wait3A_222 = arith.constant 0 : i32
      %dma_wait3A_223 = tpu.memref_slice %arg5[%add3A, %dma_wait3A_222] : memref<32x720xf32, #tpu.memory_space<hbm>> -> memref<1x720xf32, #tpu.memory_space<hbm>>
      %dma_wait3A_224 = tpu.memref_squeeze %dma_wait3A_223 : memref<1x720xf32, #tpu.memory_space<hbm>> -> memref<720xf32, #tpu.memory_space<hbm>>
      %dma_wait3A_225 = arith.constant 0 : i32
      %dma_wait3A_226 = tpu.memref_slice %arg5[%add3A, %dma_wait3A_225] : memref<32x720xf32, #tpu.memory_space<hbm>> -> memref<1x720xf32, #tpu.memory_space<hbm>>
      %dma_wait3A_227 = tpu.memref_squeeze %dma_wait3A_226 : memref<1x720xf32, #tpu.memory_space<hbm>> -> memref<720xf32, #tpu.memory_space<hbm>>
      tpu.wait_dma2 semaphore(%run_scoped3A : memref<!tpu.dma_semaphore, #tpu.memory_space<semaphore_mem>>) src(%arg11 : memref<720xf32, #tpu.memory_space<vmem>>) dst(%dma_wait3A_227 : memref<720xf32, #tpu.memory_space<hbm>>)
      tpu.yield
    }) : () -> ()
    "tpu.region"() ({
      %run_scoped3A = tpu.sem_alloc : memref<!tpu.dma_semaphore, #tpu.memory_space<semaphore_mem>>
      %dma_start3A_216 = arith.constant 0 : i32
      %dma_start3A_217 = tpu.memref_slice %arg6[%add3A, %dma_start3A_216] : memref<32x720xf32, #tpu.memory_space<hbm>> -> memref<1x720xf32, #tpu.memory_space<hbm>>
      %dma_start3A_218 = tpu.memref_squeeze %dma_start3A_217 : memref<1x720xf32, #tpu.memory_space<hbm>> -> memref<720xf32, #tpu.memory_space<hbm>>
      %dma_start3A_219 = arith.constant 0 : i32
      %dma_start3A_220 = tpu.memref_slice %arg6[%add3A, %dma_start3A_219] : memref<32x720xf32, #tpu.memory_space<hbm>> -> memref<1x720xf32, #tpu.memory_space<hbm>>
      %dma_start3A_221 = tpu.memref_squeeze %dma_start3A_220 : memref<1x720xf32, #tpu.memory_space<hbm>> -> memref<720xf32, #tpu.memory_space<hbm>>
      tpu.enqueue_dma source(%arg12 : memref<720xf32, #tpu.memory_space<vmem>>) target(%dma_start3A_221 : memref<720xf32, #tpu.memory_space<hbm>>) target_semaphore(%run_scoped3A : memref<!tpu.dma_semaphore, #tpu.memory_space<semaphore_mem>>)
      %dma_wait3A_222 = arith.constant 0 : i32
      %dma_wait3A_223 = tpu.memref_slice %arg6[%add3A, %dma_wait3A_222] : memref<32x720xf32, #tpu.memory_space<hbm>> -> memref<1x720xf32, #tpu.memory_space<hbm>>
      %dma_wait3A_224 = tpu.memref_squeeze %dma_wait3A_223 : memref<1x720xf32, #tpu.memory_space<hbm>> -> memref<720xf32, #tpu.memory_space<hbm>>
      %dma_wait3A_225 = arith.constant 0 : i32
      %dma_wait3A_226 = tpu.memref_slice %arg6[%add3A, %dma_wait3A_225] : memref<32x720xf32, #tpu.memory_space<hbm>> -> memref<1x720xf32, #tpu.memory_space<hbm>>
      %dma_wait3A_227 = tpu.memref_squeeze %dma_wait3A_226 : memref<1x720xf32, #tpu.memory_space<hbm>> -> memref<720xf32, #tpu.memory_space<hbm>>
      tpu.wait_dma2 semaphore(%run_scoped3A : memref<!tpu.dma_semaphore, #tpu.memory_space<semaphore_mem>>) src(%arg12 : memref<720xf32, #tpu.memory_space<vmem>>) dst(%dma_wait3A_227 : memref<720xf32, #tpu.memory_space<hbm>>)
      tpu.yield
    }) : () -> ()
    return
  }
}

module attributes {stable_mosaic.version = 14 : i64} {
  func.func @_stage1_body(%arg0: i32, %arg1: memref<10000x256xf32, #tpu.memory_space<vmem>>, %arg2: memref<256x22xf32, #tpu.memory_space<vmem>>, %arg3: memref<1x22xf32, #tpu.memory_space<vmem>>, %arg4: memref<1x1x10000xi32, #tpu.memory_space<vmem>>, %arg5: memref<1x1x10000xi32, #tpu.memory_space<vmem>>, %arg6: memref<1x1x10000xf32, #tpu.memory_space<vmem>>, %arg7: memref<1x1x10000xf32, #tpu.memory_space<vmem>>, %arg8: memref<1x1x10000xi32, #tpu.memory_space<vmem>>) attributes {dimension_semantics = [#tpu.dimension_semantics<arbitrary>], iteration_bounds = array<i64: 10>, scalar_prefetch = 0 : i64, scratch_operands = 0 : i64, tpu.core_type = #tpu.core_type<tc>, window_params = [{transform_indices = @transform_0, window_bounds = array<i64: 10000, 256>}, {pipeline_mode = #tpu.pipeline_mode<synchronous>, transform_indices = @transform_1, window_bounds = array<i64: 256, 22>}, {pipeline_mode = #tpu.pipeline_mode<synchronous>, transform_indices = @transform_2, window_bounds = array<i64: 1, 22>}, {transform_indices = @transform_3, window_bounds = array<i64: 1, 1, 10000>}, {transform_indices = @transform_4, window_bounds = array<i64: 1, 1, 10000>}, {transform_indices = @transform_5, window_bounds = array<i64: 1, 1, 10000>}, {transform_indices = @transform_6, window_bounds = array<i64: 1, 1, 10000>}, {transform_indices = @transform_7, window_bounds = array<i64: 1, 1, 10000>}]} {
    %get3A = arith.constant 0 : index
    %get3A_0 = arith.constant 0 : index
    %get3A_1 = vector.load %arg1[%get3A, %get3A_0] : memref<10000x256xf32, #tpu.memory_space<vmem>>, vector<10000x256xf32>
    %get3A_2 = arith.constant 0 : index
    %get3A_3 = arith.constant 0 : index
    %get3A_4 = vector.load %arg2[%get3A_2, %get3A_3] : memref<256x22xf32, #tpu.memory_space<vmem>>, vector<256x22xf32>
    %dot_general3A = arith.constant dense<0.000000e+00> : vector<10000x22xf32>
    %dot_general3A_5 = tpu.matmul %get3A_1, %get3A_4, %dot_general3A {dimension_numbers = #tpu.dot_dimension_numbers<[1], [0], [0], [1], [0, 0, 1, 1], [], []>, transpose_lhs_hint = false} : vector<10000x256xf32>, vector<256x22xf32>, vector<10000x22xf32> -> vector<10000x22xf32>
    %get3A_6 = arith.constant 0 : index
    %get3A_7 = arith.constant 0 : index
    %get3A_8 = vector.load %arg3[%get3A_6, %get3A_7] : memref<1x22xf32, #tpu.memory_space<vmem>>, vector<1x22xf32>
    %add3A = vector.broadcast %get3A_8 : vector<1x22xf32> to vector<10000x22xf32>
    %add3A_9 = arith.addf %dot_general3A_5, %add3A : vector<10000x22xf32>
    %transpose3A = tpu.transpose %add3A_9, [1, 0] : vector<10000x22xf32> -> vector<22x10000xf32>
    %get3A_10 = arith.constant 0 : index
    %get3A_11 = arith.constant 0 : index
    %get3A_12 = arith.constant 0 : index
    %get3A_13 = vector.load %arg4[%get3A_10, %get3A_11, %get3A_12] : memref<1x1x10000xi32, #tpu.memory_space<vmem>>, vector<1x1x10000xi32>
    %get3A_14 = vector.shape_cast %get3A_13 : vector<1x1x10000xi32> to vector<1x10000xi32>
    %iota3A = tpu.iota {dimensions = array<i32: 0>} : vector<22x10000xi32>
    %eq3A = vector.broadcast %get3A_14 : vector<1x10000xi32> to vector<22x10000xi32>
    %eq3A_15 = arith.cmpi eq, %iota3A, %eq3A : vector<22x10000xi32>
    %jit3A = arith.constant 0.000000e+00 : f32
    %broadcast_in_dim3A = vector.broadcast %jit3A : f32 to vector<22x10000xf32>
    %select_n3A = arith.select %eq3A_15, %transpose3A, %broadcast_in_dim3A : vector<22x10000xi1>, vector<22x10000xf32>
    %reduce_sum3A = arith.constant dense<0.000000e+00> : vector<10000xf32>
    %reduce_sum3A_16 = vector.multi_reduction <add>, %select_n3A, %reduce_sum3A [0] : vector<22x10000xf32> to vector<10000xf32>
    %broadcast_in_dim3A_17 = vector.shape_cast %reduce_sum3A_16 : vector<10000xf32> to vector<1x10000xf32>
    %swap3A = arith.constant 0 : index
    %swap3A_18 = arith.constant 0 : index
    %swap3A_19 = arith.constant 0 : index
    %swap3A_20 = vector.load %arg6[%swap3A, %swap3A_18, %swap3A_19] : memref<1x1x10000xf32, #tpu.memory_space<vmem>>, vector<1x1x10000xf32>
    %swap3A_21 = vector.shape_cast %swap3A_20 : vector<1x1x10000xf32> to vector<1x10000xf32>
    %swap3A_22 = vector.shape_cast %broadcast_in_dim3A_17 : vector<1x10000xf32> to vector<1x1x10000xf32>
    tpu.vector_store %arg6[%swap3A, %swap3A_18, %swap3A_19], %swap3A_22 {strides = array<i32>} : memref<1x1x10000xf32, #tpu.memory_space<vmem>>, vector<1x1x10000xf32>,
    %add3A_23 = arith.constant 11 : i32
    %add3A_24 = vector.broadcast %add3A_23 : i32 to vector<1x10000xi32>
    %add3A_25 = arith.addi %get3A_14, %add3A_24 : vector<1x10000xi32>
    %eq3A_26 = vector.broadcast %add3A_25 : vector<1x10000xi32> to vector<22x10000xi32>
    %eq3A_27 = arith.cmpi eq, %iota3A, %eq3A_26 : vector<22x10000xi32>
    %jit3A_28 = arith.constant 0.000000e+00 : f32
    %broadcast_in_dim3A_29 = vector.broadcast %jit3A_28 : f32 to vector<22x10000xf32>
    %select_n3A_30 = arith.select %eq3A_27, %transpose3A, %broadcast_in_dim3A_29 : vector<22x10000xi1>, vector<22x10000xf32>
    %reduce_sum3A_31 = arith.constant dense<0.000000e+00> : vector<10000xf32>
    %reduce_sum3A_32 = vector.multi_reduction <add>, %select_n3A_30, %reduce_sum3A_31 [0] : vector<22x10000xf32> to vector<10000xf32>
    %broadcast_in_dim3A_33 = vector.shape_cast %reduce_sum3A_32 : vector<10000xf32> to vector<1x10000xf32>
    %swap3A_34 = arith.constant 0 : index
    %swap3A_35 = arith.constant 0 : index
    %swap3A_36 = arith.constant 0 : index
    %swap3A_37 = vector.load %arg7[%swap3A_34, %swap3A_35, %swap3A_36] : memref<1x1x10000xf32, #tpu.memory_space<vmem>>, vector<1x1x10000xf32>
    %swap3A_38 = vector.shape_cast %swap3A_37 : vector<1x1x10000xf32> to vector<1x10000xf32>
    %swap3A_39 = vector.shape_cast %broadcast_in_dim3A_33 : vector<1x10000xf32> to vector<1x1x10000xf32>
    tpu.vector_store %arg7[%swap3A_34, %swap3A_35, %swap3A_36], %swap3A_39 {strides = array<i32>} : memref<1x1x10000xf32, #tpu.memory_space<vmem>>, vector<1x1x10000xf32>,
    %get3A_40 = arith.constant 0 : index
    %get3A_41 = arith.constant 0 : index
    %get3A_42 = arith.constant 0 : index
    %get3A_43 = vector.load %arg5[%get3A_40, %get3A_41, %get3A_42] : memref<1x1x10000xi32, #tpu.memory_space<vmem>>, vector<1x1x10000xi32>
    %get3A_44 = vector.shape_cast %get3A_43 : vector<1x1x10000xi32> to vector<1x10000xi32>
    %mul3A = arith.constant 11 : i32
    %mul3A_45 = vector.broadcast %mul3A : i32 to vector<1x10000xi32>
    %mul3A_46 = arith.muli %get3A_44, %mul3A_45 : vector<1x10000xi32>
    %add3A_47 = arith.addi %mul3A_46, %get3A_14 : vector<1x10000xi32>
    %swap3A_48 = arith.constant 0 : index
    %swap3A_49 = arith.constant 0 : index
    %swap3A_50 = arith.constant 0 : index
    %swap3A_51 = vector.load %arg8[%swap3A_48, %swap3A_49, %swap3A_50] : memref<1x1x10000xi32, #tpu.memory_space<vmem>>, vector<1x1x10000xi32>
    %swap3A_52 = vector.shape_cast %swap3A_51 : vector<1x1x10000xi32> to vector<1x10000xi32>
    %swap3A_53 = vector.shape_cast %add3A_47 : vector<1x10000xi32> to vector<1x1x10000xi32>
    tpu.vector_store %arg8[%swap3A_48, %swap3A_49, %swap3A_50], %swap3A_53 {strides = array<i32>} : memref<1x1x10000xi32, #tpu.memory_space<vmem>>, vector<1x1x10000xi32>,
    return
  }
  func.func @transform_0(%arg0: i32) -> (i32, i32) {
    %c0_i32 = arith.constant 0 : i32
    %c0_i32_0 = arith.constant 0 : i32
    return %arg0, %c0_i32 : i32, i32
  }
  func.func @transform_1(%arg0: i32) -> (i32, i32) {
    %c0_i32 = arith.constant 0 : i32
    %c0_i32_0 = arith.constant 0 : i32
    %c0_i32_1 = arith.constant 0 : i32
    return %c0_i32, %c0_i32_0 : i32, i32
  }
  func.func @transform_2(%arg0: i32) -> (i32, i32) {
    %c0_i32 = arith.constant 0 : i32
    %c0_i32_0 = arith.constant 0 : i32
    %c0_i32_1 = arith.constant 0 : i32
    return %c0_i32, %c0_i32_0 : i32, i32
  }
  func.func @transform_3(%arg0: i32) -> (i32, i32, i32) {
    %c0_i32 = arith.constant 0 : i32
    %c0_i32_0 = arith.constant 0 : i32
    %c0_i32_1 = arith.constant 0 : i32
    return %arg0, %c0_i32, %c0_i32_0 : i32, i32, i32
  }
  func.func @transform_4(%arg0: i32) -> (i32, i32, i32) {
    %c0_i32 = arith.constant 0 : i32
    %c0_i32_0 = arith.constant 0 : i32
    %c0_i32_1 = arith.constant 0 : i32
    return %arg0, %c0_i32, %c0_i32_0 : i32, i32, i32
  }
  func.func @transform_5(%arg0: i32) -> (i32, i32, i32) {
    %c0_i32 = arith.constant 0 : i32
    %c0_i32_0 = arith.constant 0 : i32
    %c0_i32_1 = arith.constant 0 : i32
    return %arg0, %c0_i32, %c0_i32_0 : i32, i32, i32
  }
  func.func @transform_6(%arg0: i32) -> (i32, i32, i32) {
    %c0_i32 = arith.constant 0 : i32
    %c0_i32_0 = arith.constant 0 : i32
    %c0_i32_1 = arith.constant 0 : i32
    return %arg0, %c0_i32, %c0_i32_0 : i32, i32, i32
  }
  func.func @transform_7(%arg0: i32) -> (i32, i32, i32) {
    %c0_i32 = arith.constant 0 : i32
    %c0_i32_0 = arith.constant 0 : i32
    %c0_i32_1 = arith.constant 0 : i32
    return %arg0, %c0_i32, %c0_i32_0 : i32, i32, i32
  }
}

module attributes {stable_mosaic.version = 14 : i64} {
  func.func @_stage3_body(%arg0: memref<32x720xf32, #tpu.memory_space<vmem>>, %arg1: memref<32x720xf32, #tpu.memory_space<vmem>>, %arg2: memref<1x720xf32, #tpu.memory_space<vmem>>) attributes {dimension_semantics = [], scalar_prefetch = 0 : i64, scratch_operands = 0 : i64, tpu.core_type = #tpu.core_type<tc>} {
    %get3A = arith.constant 0 : index
    %get3A_0 = arith.constant 0 : index
    %get3A_1 = vector.load %arg0[%get3A, %get3A_0] : memref<32x720xf32, #tpu.memory_space<vmem>>, vector<32x720xf32>
    %slice3A = vector.extract_strided_slice %get3A_1 {offsets = [0, 704], sizes = [32, 1], strides = [1, 1]} : vector<32x720xf32> to vector<32x1xf32>
    %reduce_max3A = arith.constant dense<0xFF800000> : vector<1xf32>
    %reduce_max3A_2 = vector.multi_reduction <maximumf>, %slice3A, %reduce_max3A [0] : vector<32x1xf32> to vector<1xf32>
    %broadcast_in_dim3A = vector.shape_cast %reduce_max3A_2 : vector<1xf32> to vector<1x1xf32>
    %sub3A = vector.broadcast %broadcast_in_dim3A : vector<1x1xf32> to vector<32x1xf32>
    %sub3A_3 = arith.subf %slice3A, %sub3A : vector<32x1xf32>
    %exp3A = math.exp %sub3A_3 : vector<32x1xf32>
    %get3A_4 = arith.constant 0 : index
    %get3A_5 = arith.constant 0 : index
    %get3A_6 = vector.load %arg0[%get3A_4, %get3A_5] : memref<32x720xf32, #tpu.memory_space<vmem>>, vector<32x720xf32>
    %mul3A = vector.broadcast %exp3A : vector<32x1xf32> to vector<32x720xf32>
    %mul3A_7 = arith.mulf %get3A_6, %mul3A : vector<32x720xf32>
    %reduce_sum3A = arith.constant dense<0.000000e+00> : vector<720xf32>
    %reduce_sum3A_8 = vector.multi_reduction <add>, %mul3A_7, %reduce_sum3A [0] : vector<32x720xf32> to vector<720xf32>
    %broadcast_in_dim3A_9 = vector.shape_cast %reduce_sum3A_8 : vector<720xf32> to vector<1x720xf32>
    %get3A_10 = arith.constant 0 : index
    %get3A_11 = arith.constant 0 : index
    %get3A_12 = vector.load %arg1[%get3A_10, %get3A_11] : memref<32x720xf32, #tpu.memory_space<vmem>>, vector<32x720xf32>
    %mul3A_13 = vector.broadcast %exp3A : vector<32x1xf32> to vector<32x720xf32>
    %mul3A_14 = arith.mulf %get3A_12, %mul3A_13 : vector<32x720xf32>
    %reduce_sum3A_15 = arith.constant dense<0.000000e+00> : vector<720xf32>
    %reduce_sum3A_16 = vector.multi_reduction <add>, %mul3A_14, %reduce_sum3A_15 [0] : vector<32x720xf32> to vector<720xf32>
    %broadcast_in_dim3A_17 = vector.shape_cast %reduce_sum3A_16 : vector<720xf32> to vector<1x720xf32>
    %add3A = arith.constant 1.000000e-16 : f32
    %add3A_18 = vector.broadcast %add3A : f32 to vector<1x720xf32>
    %add3A_19 = arith.addf %broadcast_in_dim3A_9, %add3A_18 : vector<1x720xf32>
    %div3A = arith.divf %broadcast_in_dim3A_17, %add3A_19 : vector<1x720xf32>
    %swap3A = arith.constant 0 : index
    %swap3A_20 = arith.constant 0 : index
    %swap3A_21 = vector.load %arg2[%swap3A, %swap3A_20] : memref<1x720xf32, #tpu.memory_space<vmem>>, vector<1x720xf32>
    tpu.vector_store %arg2[%swap3A, %swap3A_20], %div3A {strides = array<i32>} : memref<1x720xf32, #tpu.memory_space<vmem>>, vector<1x720xf32>,
    return
  }
}

</mosaic_0001>

<sc_bundles>
// kernel: kernel.5.cloned.1.call-start
scs
__scs_entry_jumppad:
0x0: {  	(pc) =	sbr.rel $0x88, $3  }
0x1: {  	(tag) =	ssettag $0x0;
	lr =	simm.s32 $0x1  }
0x2: {  	[smem:$0x3F9A] =	sst lr;
	_ =	strace $0xD0000000  }
0x3: {  	_ = 	snop  }
0x4: {  	_ = 	snop  }
0x5: {  	_ = 	snop  }
0x6: {  	_ = 	snop  }
0x7: {  	_ = 	snop  }
__scs_overlays_trampoline_lowered:
0x8: {  	[smem:$0x3FA9] =	sst s0  }
0x9: {  	[smem:$0x3FAA] =	sst s1  }
0xa: {  	[smem:$0x3FAB] =	sst s2  }
0xb: {  	[smem:$0x3FAC] =	sst s3  }
0xc: {  	[smem:$0x3FAD] =	sst s4  }
0xd: {  	[smem:$0x3FAE] =	sst s5  }
0xe: {  	[smem:$0x3FAF] =	sst s6  }
0xf: {  	[smem:$0x3FB0] =	sst s7  }
0x10: {  	[smem:$0x3FB1] =	sst s8  }
0x11: {  	[smem:$0x3FB2] =	sst s9;
	s0 =	simm.s32 @!p0 $0x0  }
0x12: {  	s1 =	sld [smem:$0x3F98];
	s0 =	simm.s32 @p0 $0x1  }
0x13: {  	[smem:$0x3FB3] =	sst s0;
	s0 =	simm.s32 @!p1 $0x0  }
0x14: {  	s2 =	sld [smem:$0x3F97];
	s0 =	simm.s32 @p1 $0x1  }
0x15: {  	[smem:$0x3FB4] =	sst s0;
	s0 =	simm.s32 @!p2 $0x0  }
0x16: {  	s3 =	sld [smem:$0x3FDB];
	s0 =	simm.s32 @p2 $0x1  }
0x17: {  	s4 =	simm.s32 $0x1BF5;
	[smem:$0x3FB6] =	sst s0  }
0x18: {  	s0 =	sld [smem:$0x3F99];
	_ =	swait.ge [sflag:s4], $0x0  }
0x19: {  	s7 =	sld [smem:$0x3F9A]  }
0x1a: {  	s8 =	sadd.s32 $0xFFFFE003, lr  }
0x1b: {  	s9 =	sadd.s32 $0xFFFFFEF7, lr;
	s5 =	simm.s32 $0xFFFFFFFF;
	p2 =	slt.u32 s8, $0xFFFFF086  }
0x1c: {  	p1 =	slt.u32 s9, $0xF7A;
	s5 =	simm.s32 @!p2 $0x0  }
0x1d: {  	s5 =	simm.s32 @p1 $0x1;
	p0 =	seq.s32 s7, s2  }
0x1e: {  	s7 =	smul.u32 @!p0 $0xF7A, s2;
	p2 =	seq.s32 @!p0 s5, $0x0  }
0x1f: {  	s9 =	smul.u32 $0xF7A, s1;
	s8 =	simm.s32 @!p0 $0x1BF5;
	p2 =	por !p2, p0  }
0x20: {  	[sflag:s8] =	ssyncset.s32 @!p0 $0xFFFFF086;
	s6 =	sadd.s32 @!p0 s3, s7;
	s7 =	simm.s32 @!p0 $0x108  }
0x21: {  	s3 =	sadd.s32 s3, s9;
	s6 =	sadd.s32 @!p0 $0x88, s6;
	s7 =	simm.s32 @p2 $0x1082  }
0x22: {  	[simem:s7], [sflag:s8] =	dma.local @!p0 [hbm:s6], $0xF7A  }
0x23: {  	s9 =	sor.u32 $0xD0000000, s2;
	s6 =	simm.s32 $0x108;
	_ =	swait.ge @!p0 [sflag:s8], $0x0  }
0x24: {  	s3 =	sadd.s32 $0x88, s3;
	s6 =	simm.s32 @!p1 $0x1082;
	[sflag:s4] =	ssyncset.s32 $0xFFFFF086  }
0x25: {  	[simem:s6], [sflag:s4] =	dma.local [hbm:s3], $0xF7A  }
0x26: {  	[smem:$0x3F9A] =	sst s1;
	(tag) =	ssettag s2;
	_ =	strace s9  }
0x27: {  	s1 =	sld [smem:$0x3FAA]  }
0x28: {  	s2 =	sld [smem:$0x3FAB]  }
0x29: {  	s4 =	sld [smem:$0x3FAD]  }
0x2a: {  	p0 =	seq.s32 s5, $0x0;
	s5 =	sld [smem:$0x3FAE]  }
0x2b: {  	s6 =	sld [smem:$0x3FAF]  }
0x2c: {  	s7 =	sld [smem:$0x3FB0]  }
0x2d: {  	s3 =	simm.s32 $0x108;
	s8 =	sld [smem:$0x3FB1]  }
0x2e: {  	s3 =	simm.s32 @!p0 $0x1082;
	s9 =	sld [smem:$0x3FB2]  }
0x2f: {  	lr =	sadd.s32 s0, s3;
	s0 =	sld [smem:$0x3FA9]  }
0x30: {  	s3 =	sld [smem:$0x3FAC]  }
0x31: {  	[smem:$0x3FB5] =	sst s10  }
0x32: {  	s10 =	sld [smem:$0x3FB3];
	_ =	sdelay $0x3  }
0x33: {  	p0 =	seq.s32 s10, $0x1;
	s10 =	sld [smem:$0x3FB5];
	_ =	sdelay $0x3  }
0x34: {  	[smem:$0x3FB5] =	sst s10  }
0x35: {  	s10 =	sld [smem:$0x3FB4];
	_ =	sdelay $0x3  }
0x36: {  	p1 =	seq.s32 s10, $0x1;
	s10 =	sld [smem:$0x3FB5];
	_ =	sdelay $0x3  }
0x37: {  	[smem:$0x3FB5] =	sst s10  }
0x38: {  	s10 =	sld [smem:$0x3FB6]  }
0x39: {  	_ = 	snop;
	(pc) =	sbr.ind lr, $3  }
0x3a: {  	_ = 	snop  }
0x3b: {  	_ = 	snop  }
0x3c: {  	p2 =	seq.s32 s10, $0x1;
	s10 =	sld [smem:$0x3FB5]  }
0x3d: {  	_ =	shalt  }
0x3e: {  	_ =	shalt  }
0x3f: {  	_ =	shalt  }
0x40: {  	_ =	shalt  }
0x41: {  	_ =	shalt  }
0x42: {  	_ =	shalt  }
0x43: {  	_ =	shalt  }
0x44: {  	_ =	shalt  }
0x45: {  	_ =	shalt  }
0x46: {  	_ =	shalt  }
0x47: {  	_ =	shalt  }
0x48: {  	_ =	shalt  }
0x49: {  	_ =	shalt  }
0x4a: {  	_ =	shalt  }
0x4b: {  	_ =	shalt  }
0x4c: {  	_ =	shalt  }
0x4d: {  	_ =	shalt  }
0x4e: {  	_ =	shalt  }
0x4f: {  	_ =	shalt  }
0x50: {  	_ =	shalt  }
0x51: {  	_ =	shalt  }
0x52: {  	_ =	shalt  }
0x53: {  	_ =	shalt  }
0x54: {  	_ =	shalt  }
0x55: {  	_ =	shalt  }
0x56: {  	_ =	shalt  }
0x57: {  	_ =	shalt  }
0x58: {  	_ =	shalt  }
0x59: {  	_ =	shalt  }
0x5a: {  	_ =	shalt  }
0x5b: {  	_ =	shalt  }
0x5c: {  	_ =	shalt  }
0x5d: {  	_ =	shalt  }
0x5e: {  	_ =	shalt  }
0x5f: {  	_ =	shalt  }
0x60: {  	_ =	shalt  }
0x61: {  	_ =	shalt  }
0x62: {  	_ =	shalt  }
0x63: {  	_ =	shalt  }
0x64: {  	_ =	shalt  }
0x65: {  	_ =	shalt  }
0x66: {  	_ =	shalt  }
0x67: {  	_ =	shalt  }
0x68: {  	_ =	shalt  }
0x69: {  	_ =	shalt  }
0x6a: {  	_ =	shalt  }
0x6b: {  	_ =	shalt  }
0x6c: {  	_ =	shalt  }
0x6d: {  	_ =	shalt  }
0x6e: {  	_ =	shalt  }
0x6f: {  	_ =	shalt  }
0x70: {  	_ =	shalt  }
0x71: {  	_ =	shalt  }
0x72: {  	_ =	shalt  }
0x73: {  	_ =	shalt  }
0x74: {  	_ =	shalt  }
0x75: {  	_ =	shalt  }
0x76: {  	_ =	shalt  }
0x77: {  	_ =	shalt  }
0x78: {  	_ =	shalt  }
0x79: {  	_ =	shalt  }
0x7a: {  	_ =	shalt  }
0x7b: {  	_ =	shalt  }
0x7c: {  	_ =	shalt  }
0x7d: {  	_ =	shalt  }
0x7e: {  	_ =	shalt  }
0x7f: {  	_ =	shalt  }
0x80: {  	_ =	shalt  }
0x81: {  	_ =	shalt  }
0x82: {  	_ =	shalt  }
0x83: {  	_ =	shalt  }
0x84: {  	_ =	shalt  }
0x85: {  	_ =	shalt  }
0x86: {  	_ =	shalt  }
0x87: {  	_ =	shalt  }
.Lfunc_end0:
.L_simem_size_0:
called_computation_lowered:
.L_overlay_start_0:
0x88: {  	s2 =	sld [smem:$0x3FD9]  }
0x89: {  	s3 =	sld [smem:$0x3FFE];
	_ =	sdelay $0x1  }
0x8a: {  	s1 =	srdreg.scid  }
0x8b: {  	s0 =	sand.u32 $0x1, s1  }
0x8c: {  	s16 =	sshll.u32 s0, $0xA;
	s2 =	sadd.s32 s3, s2  }
0x8d: {  	s2 =	sadd.s32 s2, s16  }
0x8e: {  	[smem:$0x3FC1] =	sst s2  }
0x8f: {  	_ = 	snop  }
0x90: {  	(tm) =	ssettm $0x1  }
0x91: {  	s17 =	sld [smem:$0x3FFB];
	_ =	sdelay $0x3  }
0x92: {  	_ =	strace s17  }
0x93: {  	s2 =	sld [smem:$0x3FFC];
	_ =	sdelay $0x3  }
0x94: {  	_ =	strace s2  }
0x95: {  	s2 =	sld [smem:$0x3FFD];
	_ =	sdelay $0x3  }
0x96: {  	_ =	strace s2  }
0x97: {  	_ =	strace $0x8FFFFFFF  }
0x98: {  	s18 =	sld [smem:$0x3FDB];
	_ =	sdelay $0x1  }
0x99: {  	s19 =	simm.s32 $_scs_section_size  }
0x9a: {  	s4 =	simm.s32 $_size__tile_overlayer_lowered;
	s5 =	simm.s32 $_tile_overlayer_lowered  }
0x9b: {  	s22 =	simm.s32 $0x1BFF;
	s21 =	sshll.u32 s5, $0x1;
	s2 =	sadd.s32 s19, s18  }
0x9c: {  	s6 =	simm.s32 $0x0;
	s20 =	sshll.u32 s4, $0x1;
	s4 =	sadd.s32 s21, s2  }
0x9d: {  	[timem:s6], [sflag:s22] =	dma.local [hbm:s4], s20  }
0x9e: {  	_ =	swait.ge [sflag:s22], s20  }
0x9f: {  	s3 =	ssub.s32 $0x0, s20;
	[sflag:s22] =	ssyncset.done $0x0  }
0xa0: {  	[sflag:s22] =	ssyncadd.s32 s3;
	_ =	sdelay $0x1  }
0xa1: {  	s23 =	simm.s32 $0x1B8B  }
0xa2: {  	_ =	swait.ge [sflag:s23], $0x1  }
0xa3: {  	[sflag:s23] =	ssyncset.done $0x0  }
0xa4: {  	s25 =	simm.s32 $0x1B8E;
	s24 =	sld [smem:$0x3FFE];
	[sflag:s23] =	ssyncadd.s32 $0xFFFFFFFF  }
0xa5: {  	s26 =	simm.s32 $execute0_lowered;
	[smem:$0x3FD2] =	sst s25  }
0xa6: {  	s4 =	sshll.u32 s26, $0x1;
	_ =	strace $0x80000046;
	[dreg:$0x1] =	wrdreg $0xFFFFFFFF  }
0xa7: {  	s28 =	simm.s32 $_size_execute0_lowered;
	s2 =	sadd.s32 s2, s4;
	[dreg:$0x0] =	wrdreg $0x0  }
0xa8: {  	s4 =	sshll.u32 s28, $0x1;
	[dreg:$0x2] =	wrdreg s2  }
0xa9: {  	[dreg:$0x3] =	wrdreg s4  }
0xaa: {  	[dreg:$0x4] =	wrdreg $0xC0  }
0xab: {  	_ =	task [dreg:s6], $0x5FFFF  }
0xac: {  	[dreg:$0x1] =	wrdreg $0xFFFFFFFF  }
0xad: {  	[dreg:$0x0] =	wrdreg $0x60  }
0xae: {  	[dreg:$0x2] =	wrdreg s24  }
0xaf: {  	[dreg:$0x3] =	wrdreg $0x9  }
0xb0: {  	_ =	task.clear_ibuf [dreg:s6], $0x4FFFF;
	_ =	strace $0x90000046  }
0xb1: {  	s29 =	simm.s32 $0x9;
	_ =	strace $0x80000048  }
0xb2: {  	_ =	swait.ge [sflag:s29], $0x1  }
0xb3: {  	[sflag:s29] =	ssyncadd.s32 $0xFFFFFFFF  }
0xb4: {  	_ =	strace $0x90000048  }
0xb5: {  	_ =	sfence  }
0xb6: {  	s30 =	sld [smem:$0x0];
	_ =	sdelay $0x2  }
0xb7: {  	s31 =	sshll.u32 s1, $0xD;
	s1 =	sshrl.u32 s1, $0x2  }
0xb8: {  	s3 =	sand.u32 $0x4000, s31;
	s1 =	sadd.s32 s1, s30  }
0xb9: {  	s0 =	sor.u32 s3, s0;
	s1 =	sshll.u32 s1, $0x11  }
0xba: {  	s0 =	sor.u32 s1, s0  }
0xbb: {  	s0 =	sadd.s32 $0x8F2B, s0  }
0xbc: {  	[sflag:s0] =	ssyncadd.remote.s32 $0x1  }
0xbd: {  	_ =	sfence.sel $0xFFFF  }
0xbe: {  	[dreg:$0x0] =	wrdreg $0xFFFFFFFF;
	(pc) =	sbr.abs _section_cstart, $3  }
0xbf: {  	[dreg:$0x1] =	wrdreg $0xFFFFFFFF  }
0xc0: {  	_ =	task.clear_ibuf [dreg:s6], $0x2FFFF;
	_ =	strace $0x9FFFFFFF  }
0xc1: {  	(tm) =	ssettm $0x7FFFFFFF  }
tec
execute0_lowered:
.L_overlay_start_1:
0x0: {  	(tag) =	ssettag $0x1  }
0x1: {  	s1 =	srdreg.scid;
	s0 =	stileid.u32  }
0x2: {  	s4 =	rddreg [dreg:$0x0];
	s10 =	simm.s32 $0x1900;
	s11 =	simm.s32 $0x1  }
0x3: {  	s12 =	simm.s32 $0x2;
	s13 =	simm.s32 $0x3;
	s14 =	simm.s32 $0x2600  }
0x4: {  	s15 =	simm.s32 $0x2900;
	s16 =	simm.s32 $0x80;
	s17 =	simm.s32 $0x400  }
0x5: {  	s18 =	simm.s32 $0x4;
	s19 =	simm.s32 $0x0;
	s3 =	sand.u32 $0x1, s1  }
0x6: {  	s2 =	sshll.u32 s0, $0x1;
	s1 =	rddreg [dreg:$0x1];
	s6 =	sshrl.u32 s0, $0x2  }
0x7: {  	s5 =	sor.u32 s3, s2;
	s2 =	simm.s32 $0x0;
	s6 =	smul.u32 $0x1800, s6  }
0x8: {  	s31 =	ssub.s32 $0x2, s3;
	s7 =	sshll.u32 s5, $0x7;
	[smem:$0x7FF] =	sst s2  }
0x9: {  	s5 =	smul.u32 $0x190, s5;
	s8 =	sshrl.u32 s31, $0x1;
	s7 =	sand.u32 $0x380, s7  }
0xa: {  	_ =	strace $0x80000047;
	s8 =	ssub.s32 s31, s8;
	s6 =	sor.u32 s6, s7  }
0xb: {  	s3 =	sadd.s32 s4, s5;
	s8 =	smax.u32 s8, $0x1;
	s6 =	sshrl.u32 s6, $0x3  }
0xc: {  	s5 =	sadd.s32 $0x6400, s3;
	s9 =	sadd.s32 s6, s4;
	s4 =	sadd.s32 $0x3200, s3  }
0xd: {  	v0 =	vimm.f32 $0.0e+00;
	s6 =	sadd.s32 $0x9600, s9;
	s7 =	sadd.s32 $0xA200, s9;
	s9 =	simm.s32 $0xC80  }
.LBB2_1:
0xe: {  	[tilespmem:s2], [sflag:$0x1] =	stream.linear.gather [hbm4b:s3+s2], $0xC80, $0x38;
	[tilespmem:$0x2C00] =	vst v63  }
0xf: {  	_ = 	snop  }
0x10: {  	[tilespmem:s9], [sflag:$0x2] =	stream.linear.gather [hbm4b:s4+s2], $0xC80, $0x38;
	[tilespmem:$0x2C00] =	vst v63  }
0x11: {  	_ = 	snop  }
0x12: {  	[tilespmem:s10], [sflag:$0x3] =	stream.linear.gather [hbm4b:s5+s2], $0xC80, $0x38;
	[tilespmem:$0x2C00] =	vst v63  }
0x13: {  	[tilespmem:$0x2600] =	vst v0  }
0x14: {  	[tilespmem:$0x2900] =	vst v0  }
0x15: {  	[tilespmem:$0x2610] =	vst v0  }
0x16: {  	[tilespmem:$0x2910] =	vst v0  }
0x17: {  	[tilespmem:$0x2620] =	vst v0  }
0x18: {  	[tilespmem:$0x2920] =	vst v0  }
0x19: {  	[tilespmem:$0x2630] =	vst v0  }
0x1a: {  	[tilespmem:$0x2930] =	vst v0  }
0x1b: {  	[tilespmem:$0x2640] =	vst v0  }
0x1c: {  	[tilespmem:$0x2940] =	vst v0  }
0x1d: {  	[tilespmem:$0x2650] =	vst v0  }
0x1e: {  	[tilespmem:$0x2950] =	vst v0  }
0x1f: {  	[tilespmem:$0x2660] =	vst v0  }
0x20: {  	[tilespmem:$0x2960] =	vst v0  }
0x21: {  	[tilespmem:$0x2670] =	vst v0  }
0x22: {  	[tilespmem:$0x2970] =	vst v0  }
0x23: {  	[tilespmem:$0x2680] =	vst v0  }
0x24: {  	[tilespmem:$0x2980] =	vst v0  }
0x25: {  	[tilespmem:$0x2690] =	vst v0  }
0x26: {  	[tilespmem:$0x2990] =	vst v0  }
0x27: {  	[tilespmem:$0x26A0] =	vst v0  }
0x28: {  	[tilespmem:$0x29A0] =	vst v0  }
0x29: {  	[tilespmem:$0x26B0] =	vst v0  }
0x2a: {  	[tilespmem:$0x29B0] =	vst v0  }
0x2b: {  	[tilespmem:$0x26C0] =	vst v0  }
0x2c: {  	[tilespmem:$0x29C0] =	vst v0  }
0x2d: {  	[tilespmem:$0x26D0] =	vst v0  }
0x2e: {  	[tilespmem:$0x29D0] =	vst v0  }
0x2f: {  	[tilespmem:$0x26E0] =	vst v0  }
0x30: {  	[tilespmem:$0x29E0] =	vst v0  }
0x31: {  	[tilespmem:$0x26F0] =	vst v0  }
0x32: {  	[tilespmem:$0x29F0] =	vst v0  }
0x33: {  	[tilespmem:$0x2700] =	vst v0  }
0x34: {  	[tilespmem:$0x2A00] =	vst v0  }
0x35: {  	[tilespmem:$0x2710] =	vst v0  }
0x36: {  	[tilespmem:$0x2A10] =	vst v0  }
0x37: {  	[tilespmem:$0x2720] =	vst v0  }
0x38: {  	[tilespmem:$0x2A20] =	vst v0  }
0x39: {  	[tilespmem:$0x2730] =	vst v0  }
0x3a: {  	[tilespmem:$0x2A30] =	vst v0  }
0x3b: {  	[tilespmem:$0x2740] =	vst v0  }
0x3c: {  	[tilespmem:$0x2A40] =	vst v0  }
0x3d: {  	[tilespmem:$0x2750] =	vst v0  }
0x3e: {  	[tilespmem:$0x2A50] =	vst v0  }
0x3f: {  	[tilespmem:$0x2760] =	vst v0  }
0x40: {  	[tilespmem:$0x2A60] =	vst v0  }
0x41: {  	[tilespmem:$0x2770] =	vst v0  }
0x42: {  	[tilespmem:$0x2A70] =	vst v0  }
0x43: {  	[tilespmem:$0x2780] =	vst v0  }
0x44: {  	[tilespmem:$0x2A80] =	vst v0  }
0x45: {  	[tilespmem:$0x2790] =	vst v0  }
0x46: {  	[tilespmem:$0x2A90] =	vst v0  }
0x47: {  	[tilespmem:$0x27A0] =	vst v0  }
0x48: {  	[tilespmem:$0x2AA0] =	vst v0  }
0x49: {  	[tilespmem:$0x27B0] =	vst v0  }
0x4a: {  	[tilespmem:$0x2AB0] =	vst v0  }
0x4b: {  	[tilespmem:$0x27C0] =	vst v0  }
0x4c: {  	[tilespmem:$0x2AC0] =	vst v0  }
0x4d: {  	[tilespmem:$0x27D0] =	vst v0  }
0x4e: {  	[tilespmem:$0x2AD0] =	vst v0  }
0x4f: {  	[tilespmem:$0x27E0] =	vst v0  }
0x50: {  	[tilespmem:$0x2AE0] =	vst v0  }
0x51: {  	[tilespmem:$0x27F0] =	vst v0  }
0x52: {  	[tilespmem:$0x2AF0] =	vst v0  }
0x53: {  	[tilespmem:$0x2800] =	vst v0  }
0x54: {  	[tilespmem:$0x2B00] =	vst v0  }
0x55: {  	[tilespmem:$0x2810] =	vst v0  }
0x56: {  	[tilespmem:$0x2B10] =	vst v0  }
0x57: {  	[tilespmem:$0x2820] =	vst v0  }
0x58: {  	[tilespmem:$0x2B20] =	vst v0  }
0x59: {  	[tilespmem:$0x2830] =	vst v0  }
0x5a: {  	[tilespmem:$0x2B30] =	vst v0  }
0x5b: {  	[tilespmem:$0x2840] =	vst v0  }
0x5c: {  	[tilespmem:$0x2B40] =	vst v0  }
0x5d: {  	[tilespmem:$0x2850] =	vst v0  }
0x5e: {  	[tilespmem:$0x2B50] =	vst v0  }
0x5f: {  	[tilespmem:$0x2860] =	vst v0  }
0x60: {  	[tilespmem:$0x2B60] =	vst v0  }
0x61: {  	[tilespmem:$0x2870] =	vst v0  }
0x62: {  	[tilespmem:$0x2B70] =	vst v0  }
0x63: {  	[tilespmem:$0x2880] =	vst v0  }
0x64: {  	[tilespmem:$0x2B80] =	vst v0  }
0x65: {  	[tilespmem:$0x2890] =	vst v0  }
0x66: {  	[tilespmem:$0x2B90] =	vst v0  }
0x67: {  	[tilespmem:$0x28A0] =	vst v0  }
0x68: {  	[tilespmem:$0x2BA0] =	vst v0  }
0x69: {  	[tilespmem:$0x28B0] =	vst v0  }
0x6a: {  	[tilespmem:$0x2BB0] =	vst v0  }
0x6b: {  	[tilespmem:$0x28C0] =	vst v0  }
0x6c: {  	[tilespmem:$0x2BC0] =	vst v0  }
0x6d: {  	_ =	swait.ge [sflag:s11], $0xC80  }
0x6e: {  	[sflag:s11] =	ssyncset.done $0x0  }
0x6f: {  	s21 =	simm.s32 $0x0;
	[sflag:s11] =	ssyncadd.s32 $0xFFFFF380  }
0x70: {  	v2 =	vld [tilespmem:s21+$0x30]  }
0x71: {  	v3 =	vld [tilespmem:s21+$0x0]  }
0x72: {  	v1 =	vimm.f32 $-Inf;
	v4 =	vld [tilespmem:s21+$0x10]  }
0x73: {  	s20 =	simm.s32 $0x100;
	v6 =	vimm.f32 $-Inf;
	v7 =	vimm.f32 $-Inf;
	v8 =	vimm.f32 $-Inf;
	v5 =	vld [tilespmem:s21+$0x20]  }
.LBB2_2:
0x74: {  	p0 =	sne.s32 s20, $0x3100  }
.Ltmp0:
0x75: {  	s21 =	sshra.s32 s20, $0x2;
	s20 =	sadd.s32 $0x100, s20;
	v1 =	vmax.f32 v1, v2;
	(pc) =	sbr.rel @p0 .LBB2_2-.Ltmp0, $4  }
0x76: {  	v2 =	vld [tilespmem:s21+$0x30];
	v6 =	vmax.f32 v6, v3  }
0x77: {  	v3 =	vld [tilespmem:s21+$0x0];
	v7 =	vmax.f32 v7, v4  }
0x78: {  	v4 =	vld [tilespmem:s21+$0x10];
	v8 =	vmax.f32 v8, v5  }
0x79: {  	v5 =	vld [tilespmem:s21+$0x20]  }
0x7a: {  	_ =	sdelay $0x2  }
0x7b: {  	v3 =	vmax.f32 v6, v3;
	v4 =	vmax.f32 v7, v4  }
0x7c: {  	v5 =	vmax.f32 v8, v5;
	v3 =	vmax.f32 v3, v4  }
0x7d: {  	v1 =	vmax.f32 v1, v2;
	v2 =	vmax.f32 v3, v5  }
0x7e: {  	v1 =	vmax.f32 v2, v1  }
0x7f: {  	(xrf0) =	vmax.scan.msk.f32 $0xffff, v1;
	_ =	sdelay $0x5  }
0x80: {  	v1, _, _ =	vpop (xrf0)  }
0x81: {  	v1 =	vbroadcast v1, $0xF;
	_ =	sdelay $0x1  }
0x82: {  	[tilespmem:$0x2580] =	vst v1  }
0x83: {  	_ =	swait.ge [sflag:s12], $0xC80  }
0x84: {  	[sflag:s12] =	ssyncset.done $0x0  }
0x85: {  	[sflag:s12] =	ssyncadd.s32 $0xFFFFF380  }
0x86: {  	_ =	swait.ge [sflag:s13], $0xC80  }
0x87: {  	[sflag:s13] =	ssyncset.done $0x0  }
0x88: {  	s20 =	simm.s32 $0x0;
	[sflag:s13] =	ssyncadd.s32 $0xFFFFF380  }
0x89: {  	v2 =	vld [tilespmem:s20+$0x0];
	_ =	sdelay $0x4  }
0x8a: {  	v2 =	vsub.f32 v2, v1;
	_ =	sdelay $0x1  }
0x8b: {  	v2 =	vmul.f32 $1.442695020e+00, v2;
	_ =	sdelay $0x1  }
0x8c: {  	(erf) = vpow2.f32 v2;
	_ =	sdelay $0x1  }
0x8d: {  	v2 =	vld [tilespmem:s20+$0x1900];
	_ =	sdelay $0x6  }
0x8e: {  	v3 =	vpop (erf)  }
0x8f: {  	[tilespmem:v2+s14+$0x0] =	vst.idx.add.f32.msk $0xffff, v3  }
0x90: {  	v4 =	vld [tilespmem:s20+$0xC80];
	_ =	sdelay $0x4  }
0x91: {  	v3 =	vmul.f32 v3, v4;
	_ =	sdelay $0x1  }
0x92: {  	[tilespmem:v2+s15+$0x0] =	vst.idx.add.f32.msk $0xffff, v3  }
0x93: {  	v2 =	vld [tilespmem:s20+$0x10];
	_ =	sdelay $0x4  }
0x94: {  	v2 =	vsub.f32 v2, v1;
	_ =	sdelay $0x1  }
0x95: {  	v2 =	vmul.f32 $1.442695020e+00, v2;
	_ =	sdelay $0x1  }
0x96: {  	(erf) = vpow2.f32 v2;
	_ =	sdelay $0x1  }
0x97: {  	v2 =	vld [tilespmem:s20+$0x1910];
	_ =	sdelay $0x6  }
0x98: {  	v3 =	vpop (erf)  }
0x99: {  	[tilespmem:v2+s14+$0x0] =	vst.idx.add.f32.msk $0xffff, v3  }
0x9a: {  	v4 =	vld [tilespmem:s20+$0xC90];
	_ =	sdelay $0x4  }
0x9b: {  	v3 =	vmul.f32 v3, v4;
	_ =	sdelay $0x1  }
0x9c: {  	[tilespmem:v2+s15+$0x0] =	vst.idx.add.f32.msk $0xffff, v3  }
0x9d: {  	v2 =	vld [tilespmem:s20+$0x20];
	_ =	sdelay $0x4  }
0x9e: {  	v2 =	vsub.f32 v2, v1;
	_ =	sdelay $0x1  }
0x9f: {  	v2 =	vmul.f32 $1.442695020e+00, v2;
	_ =	sdelay $0x1  }
0xa0: {  	(erf) = vpow2.f32 v2;
	_ =	sdelay $0x1  }
0xa1: {  	v2 =	vld [tilespmem:s20+$0x1920];
	_ =	sdelay $0x6  }
0xa2: {  	v3 =	vpop (erf)  }
0xa3: {  	[tilespmem:v2+s14+$0x0] =	vst.idx.add.f32.msk $0xffff, v3  }
0xa4: {  	v4 =	vld [tilespmem:s20+$0xCA0];
	_ =	sdelay $0x4  }
0xa5: {  	v3 =	vmul.f32 v3, v4;
	_ =	sdelay $0x1  }
0xa6: {  	[tilespmem:v2+s15+$0x0] =	vst.idx.add.f32.msk $0xffff, v3  }
0xa7: {  	v2 =	vld [tilespmem:s20+$0x30];
	_ =	sdelay $0x4  }
0xa8: {  	v2 =	vsub.f32 v2, v1;
	_ =	sdelay $0x1  }
0xa9: {  	v2 =	vmul.f32 $1.442695020e+00, v2;
	_ =	sdelay $0x1  }
0xaa: {  	(erf) = vpow2.f32 v2;
	_ =	sdelay $0x1  }
0xab: {  	v2 =	vld [tilespmem:s20+$0x1930];
	_ =	sdelay $0x6  }
0xac: {  	v3 =	vpop (erf)  }
0xad: {  	[tilespmem:v2+s14+$0x0] =	vst.idx.add.f32.msk $0xffff, v3  }
0xae: {  	v4 =	vld [tilespmem:s20+$0xCB0];
	_ =	sdelay $0x4  }
0xaf: {  	v3 =	vmul.f32 v3, v4;
	_ =	sdelay $0x1  }
0xb0: {  	[tilespmem:v2+s15+$0x0] =	vst.idx.add.f32.msk $0xffff, v3  }
0xb1: {  	v2 =	vld [tilespmem:s20+$0x40];
	_ =	sdelay $0x4  }
0xb2: {  	v2 =	vsub.f32 v2, v1;
	_ =	sdelay $0x1  }
0xb3: {  	v2 =	vmul.f32 $1.442695020e+00, v2;
	_ =	sdelay $0x1  }
0xb4: {  	(erf) = vpow2.f32 v2;
	_ =	sdelay $0x1  }
0xb5: {  	v2 =	vld [tilespmem:s20+$0x1940];
	_ =	sdelay $0x6  }
0xb6: {  	v3 =	vpop (erf)  }
0xb7: {  	[tilespmem:v2+s14+$0x0] =	vst.idx.add.f32.msk $0xffff, v3  }
0xb8: {  	v4 =	vld [tilespmem:s20+$0xCC0];
	_ =	sdelay $0x4  }
0xb9: {  	v3 =	vmul.f32 v3, v4;
	_ =	sdelay $0x1  }
0xba: {  	[tilespmem:v2+s15+$0x0] =	vst.idx.add.f32.msk $0xffff, v3  }
0xbb: {  	v2 =	vld [tilespmem:s20+$0x50];
	_ =	sdelay $0x4  }
0xbc: {  	v2 =	vsub.f32 v2, v1;
	_ =	sdelay $0x1  }
0xbd: {  	v2 =	vmul.f32 $1.442695020e+00, v2;
	_ =	sdelay $0x1  }
0xbe: {  	(erf) = vpow2.f32 v2;
	_ =	sdelay $0x1  }
0xbf: {  	v2 =	vld [tilespmem:s20+$0x1950];
	_ =	sdelay $0x6  }
0xc0: {  	v3 =	vpop (erf)  }
0xc1: {  	[tilespmem:v2+s14+$0x0] =	vst.idx.add.f32.msk $0xffff, v3  }
0xc2: {  	v4 =	vld [tilespmem:s20+$0xCD0];
	_ =	sdelay $0x4  }
0xc3: {  	v3 =	vmul.f32 v3, v4;
	_ =	sdelay $0x1  }
0xc4: {  	[tilespmem:v2+s15+$0x0] =	vst.idx.add.f32.msk $0xffff, v3  }
0xc5: {  	v2 =	vld [tilespmem:s20+$0x60];
	_ =	sdelay $0x4  }
0xc6: {  	v2 =	vsub.f32 v2, v1;
	_ =	sdelay $0x1  }
0xc7: {  	v2 =	vmul.f32 $1.442695020e+00, v2;
	_ =	sdelay $0x1  }
0xc8: {  	(erf) = vpow2.f32 v2;
	_ =	sdelay $0x1  }
0xc9: {  	v2 =	vld [tilespmem:s20+$0x1960];
	_ =	sdelay $0x6  }
0xca: {  	v3 =	vpop (erf)  }
0xcb: {  	[tilespmem:v2+s14+$0x0] =	vst.idx.add.f32.msk $0xffff, v3  }
0xcc: {  	v4 =	vld [tilespmem:s20+$0xCE0];
	_ =	sdelay $0x4  }
0xcd: {  	v3 =	vmul.f32 v3, v4;
	_ =	sdelay $0x1  }
0xce: {  	[tilespmem:v2+s15+$0x0] =	vst.idx.add.f32.msk $0xffff, v3  }
0xcf: {  	v2 =	vld [tilespmem:s20+$0x70];
	_ =	sdelay $0x4  }
0xd0: {  	v2 =	vsub.f32 v2, v1;
	_ =	sdelay $0x1  }
0xd1: {  	v2 =	vmul.f32 $1.442695020e+00, v2;
	_ =	sdelay $0x1  }
0xd2: {  	(erf) = vpow2.f32 v2;
	_ =	sdelay $0x1  }
0xd3: {  	v2 =	vld [tilespmem:s20+$0x1970];
	_ =	sdelay $0x6  }
0xd4: {  	v3 =	vpop (erf)  }
0xd5: {  	[tilespmem:v2+s14+$0x0] =	vst.idx.add.f32.msk $0xffff, v3  }
0xd6: {  	v4 =	vld [tilespmem:s20+$0xCF0];
	_ =	sdelay $0x4  }
0xd7: {  	s21 =	simm.s32 $0x400;
	s20 =	simm.s32 $0x200;
	v3 =	vmul.f32 v3, v4  }
.LBB2_4:
0xd8: {  	p0 =	sne.s32 s21, $0x3000  }
0xd9: {  	s22 =	sshra.s32 s20, $0x2;
	s20 =	smov.u32 s21;
	s21 =	sadd.s32 $0x200, s21;
	[tilespmem:v2+s15+$0x0] =	vst.idx.add.f32.msk $0xffff, v3  }
0xda: {  	v2 =	vld [tilespmem:s22+$0x0];
	_ =	sdelay $0x4  }
0xdb: {  	v2 =	vsub.f32 v2, v1;
	_ =	sdelay $0x1  }
0xdc: {  	v2 =	vmul.f32 $1.442695020e+00, v2;
	_ =	sdelay $0x1  }
0xdd: {  	(erf) = vpow2.f32 v2;
	_ =	sdelay $0x1  }
0xde: {  	v2 =	vld [tilespmem:s22+$0x1900];
	_ =	sdelay $0x6  }
0xdf: {  	v3 =	vpop (erf)  }
0xe0: {  	[tilespmem:v2+s14+$0x0] =	vst.idx.add.f32.msk $0xffff, v3  }
0xe1: {  	v4 =	vld [tilespmem:s22+$0xC80];
	_ =	sdelay $0x4  }
0xe2: {  	v3 =	vmul.f32 v3, v4;
	_ =	sdelay $0x1  }
0xe3: {  	[tilespmem:v2+s15+$0x0] =	vst.idx.add.f32.msk $0xffff, v3  }
0xe4: {  	v2 =	vld [tilespmem:s22+$0x10];
	_ =	sdelay $0x4  }
0xe5: {  	v2 =	vsub.f32 v2, v1;
	_ =	sdelay $0x1  }
0xe6: {  	v2 =	vmul.f32 $1.442695020e+00, v2;
	_ =	sdelay $0x1  }
0xe7: {  	(erf) = vpow2.f32 v2;
	_ =	sdelay $0x1  }
0xe8: {  	v2 =	vld [tilespmem:s22+$0x1910];
	_ =	sdelay $0x6  }
0xe9: {  	v3 =	vpop (erf)  }
0xea: {  	[tilespmem:v2+s14+$0x0] =	vst.idx.add.f32.msk $0xffff, v3  }
0xeb: {  	v4 =	vld [tilespmem:s22+$0xC90];
	_ =	sdelay $0x4  }
0xec: {  	v3 =	vmul.f32 v3, v4;
	_ =	sdelay $0x1  }
0xed: {  	[tilespmem:v2+s15+$0x0] =	vst.idx.add.f32.msk $0xffff, v3  }
0xee: {  	v2 =	vld [tilespmem:s22+$0x20];
	_ =	sdelay $0x4  }
0xef: {  	v2 =	vsub.f32 v2, v1;
	_ =	sdelay $0x1  }
0xf0: {  	v2 =	vmul.f32 $1.442695020e+00, v2;
	_ =	sdelay $0x1  }
0xf1: {  	(erf) = vpow2.f32 v2;
	_ =	sdelay $0x1  }
0xf2: {  	v2 =	vld [tilespmem:s22+$0x1920];
	_ =	sdelay $0x6  }
0xf3: {  	v3 =	vpop (erf)  }
0xf4: {  	[tilespmem:v2+s14+$0x0] =	vst.idx.add.f32.msk $0xffff, v3  }
0xf5: {  	v4 =	vld [tilespmem:s22+$0xCA0];
	_ =	sdelay $0x4  }
0xf6: {  	v3 =	vmul.f32 v3, v4;
	_ =	sdelay $0x1  }
0xf7: {  	[tilespmem:v2+s15+$0x0] =	vst.idx.add.f32.msk $0xffff, v3  }
0xf8: {  	v2 =	vld [tilespmem:s22+$0x30];
	_ =	sdelay $0x4  }
0xf9: {  	v2 =	vsub.f32 v2, v1;
	_ =	sdelay $0x1  }
0xfa: {  	v2 =	vmul.f32 $1.442695020e+00, v2;
	_ =	sdelay $0x1  }
0xfb: {  	(erf) = vpow2.f32 v2;
	_ =	sdelay $0x1  }
0xfc: {  	v2 =	vld [tilespmem:s22+$0x1930];
	_ =	sdelay $0x6  }
0xfd: {  	v3 =	vpop (erf)  }
0xfe: {  	[tilespmem:v2+s14+$0x0] =	vst.idx.add.f32.msk $0xffff, v3  }
0xff: {  	v4 =	vld [tilespmem:s22+$0xCB0];
	_ =	sdelay $0x4  }
0x100: {  	v3 =	vmul.f32 v3, v4;
	_ =	sdelay $0x1  }
0x101: {  	[tilespmem:v2+s15+$0x0] =	vst.idx.add.f32.msk $0xffff, v3  }
0x102: {  	v2 =	vld [tilespmem:s22+$0x40];
	_ =	sdelay $0x4  }
0x103: {  	v2 =	vsub.f32 v2, v1;
	_ =	sdelay $0x1  }
0x104: {  	v2 =	vmul.f32 $1.442695020e+00, v2;
	_ =	sdelay $0x1  }
0x105: {  	(erf) = vpow2.f32 v2;
	_ =	sdelay $0x1  }
0x106: {  	v2 =	vld [tilespmem:s22+$0x1940];
	_ =	sdelay $0x6  }
0x107: {  	v3 =	vpop (erf)  }
0x108: {  	[tilespmem:v2+s14+$0x0] =	vst.idx.add.f32.msk $0xffff, v3  }
0x109: {  	v4 =	vld [tilespmem:s22+$0xCC0];
	_ =	sdelay $0x4  }
0x10a: {  	v3 =	vmul.f32 v3, v4;
	_ =	sdelay $0x1  }
0x10b: {  	[tilespmem:v2+s15+$0x0] =	vst.idx.add.f32.msk $0xffff, v3  }
0x10c: {  	v2 =	vld [tilespmem:s22+$0x50]  }
0x10d: {  	v3 =	vld [tilespmem:s22+$0x1950];
	_ =	sdelay $0x3  }
0x10e: {  	v2 =	vsub.f32 v2, v1;
	_ =	sdelay $0x1  }
0x10f: {  	v2 =	vmul.f32 $1.442695020e+00, v2;
	_ =	sdelay $0x1  }
0x110: {  	(erf) = vpow2.f32 v2;
	_ =	sdelay $0x8  }
0x111: {  	v2 =	vpop (erf)  }
0x112: {  	[tilespmem:v3+s14+$0x0] =	vst.idx.add.f32.msk $0xffff, v2  }
0x113: {  	v4 =	vld [tilespmem:s22+$0xCD0];
	_ =	sdelay $0x4  }
0x114: {  	v2 =	vmul.f32 v2, v4;
	_ =	sdelay $0x1  }
0x115: {  	[tilespmem:v3+s15+$0x0] =	vst.idx.add.f32.msk $0xffff, v2  }
0x116: {  	v2 =	vld [tilespmem:s22+$0x60]  }
0x117: {  	v3 =	vld [tilespmem:s22+$0x1960];
	_ =	sdelay $0x3  }
0x118: {  	v2 =	vsub.f32 v2, v1;
	_ =	sdelay $0x1  }
0x119: {  	v2 =	vmul.f32 $1.442695020e+00, v2;
	_ =	sdelay $0x1  }
0x11a: {  	(erf) = vpow2.f32 v2;
	_ =	sdelay $0x8  }
0x11b: {  	v2 =	vpop (erf)  }
0x11c: {  	[tilespmem:v3+s14+$0x0] =	vst.idx.add.f32.msk $0xffff, v2  }
0x11d: {  	v4 =	vld [tilespmem:s22+$0xCE0];
	_ =	sdelay $0x4  }
0x11e: {  	v2 =	vmul.f32 v2, v4;
	_ =	sdelay $0x1  }
0x11f: {  	[tilespmem:v3+s15+$0x0] =	vst.idx.add.f32.msk $0xffff, v2  }
0x120: {  	v3 =	vld [tilespmem:s22+$0x70]  }
0x121: {  	v2 =	vld [tilespmem:s22+$0x1970];
	_ =	sdelay $0x3  }
0x122: {  	v3 =	vsub.f32 v3, v1;
	_ =	sdelay $0x1  }
0x123: {  	v3 =	vmul.f32 $1.442695020e+00, v3;
	_ =	sdelay $0x1  }
0x124: {  	(erf) = vpow2.f32 v3;
	_ =	sdelay $0x8  }
0x125: {  	v3 =	vpop (erf)  }
0x126: {  	[tilespmem:v2+s14+$0x0] =	vst.idx.add.f32.msk $0xffff, v3  }
0x127: {  	v4 =	vld [tilespmem:s22+$0xCF0]  }
.Ltmp1:
0x128: {  	(pc) =	sbr.rel @p0 .LBB2_4-.Ltmp1, $2  }
0x129: {  	_ =	sdelay $0x2  }
0x12a: {  	v3 =	vmul.f32 v3, v4  }
0x12b: {  	_ =	sdelay $0x3  }
0x12c: {  	s20 =	sshra.s32 s20, $0x2;
	[tilespmem:v2+s15+$0x0] =	vst.idx.add.f32.msk $0xffff, v3  }
0x12d: {  	v2 =	vld [tilespmem:s20+$0x0];
	_ =	sdelay $0x4  }
0x12e: {  	v2 =	vsub.f32 v2, v1;
	_ =	sdelay $0x1  }
0x12f: {  	v2 =	vmul.f32 $1.442695020e+00, v2;
	_ =	sdelay $0x1  }
0x130: {  	(erf) = vpow2.f32 v2;
	_ =	sdelay $0x1  }
0x131: {  	v2 =	vld [tilespmem:s20+$0x1900];
	_ =	sdelay $0x6  }
0x132: {  	v3 =	vpop (erf)  }
0x133: {  	[tilespmem:v2+s14+$0x0] =	vst.idx.add.f32.msk $0xffff, v3  }
0x134: {  	v4 =	vld [tilespmem:s20+$0xC80];
	_ =	sdelay $0x4  }
0x135: {  	v3 =	vmul.f32 v3, v4;
	_ =	sdelay $0x1  }
0x136: {  	[tilespmem:v2+s15+$0x0] =	vst.idx.add.f32.msk $0xffff, v3  }
0x137: {  	v2 =	vld [tilespmem:s20+$0x10];
	_ =	sdelay $0x4  }
0x138: {  	v2 =	vsub.f32 v2, v1;
	_ =	sdelay $0x1  }
0x139: {  	v2 =	vmul.f32 $1.442695020e+00, v2;
	_ =	sdelay $0x1  }
0x13a: {  	(erf) = vpow2.f32 v2;
	_ =	sdelay $0x1  }
0x13b: {  	v2 =	vld [tilespmem:s20+$0x1910];
	_ =	sdelay $0x6  }
0x13c: {  	v3 =	vpop (erf)  }
0x13d: {  	[tilespmem:v2+s14+$0x0] =	vst.idx.add.f32.msk $0xffff, v3  }
0x13e: {  	v57 =	vld [tilespmem:s20+$0xC90];
	_ =	sdelay $0x4  }
0x13f: {  	v3 =	vmul.f32 v3, v57;
	_ =	sdelay $0x1  }
0x140: {  	[tilespmem:v2+s15+$0x0] =	vst.idx.add.f32.msk $0xffff, v3  }
0x141: {  	v2 =	vld [tilespmem:s20+$0x20];
	_ =	sdelay $0x4  }
0x142: {  	v2 =	vsub.f32 v2, v1;
	_ =	sdelay $0x1  }
0x143: {  	v2 =	vmul.f32 $1.442695020e+00, v2;
	_ =	sdelay $0x1  }
0x144: {  	(erf) = vpow2.f32 v2;
	_ =	sdelay $0x1  }
0x145: {  	v2 =	vld [tilespmem:s20+$0x1920];
	_ =	sdelay $0x6  }
0x146: {  	v3 =	vpop (erf)  }
0x147: {  	[tilespmem:v2+s14+$0x0] =	vst.idx.add.f32.msk $0xffff, v3  }
0x148: {  	v58 =	vld [tilespmem:s20+$0xCA0];
	_ =	sdelay $0x4  }
0x149: {  	v3 =	vmul.f32 v3, v58;
	_ =	sdelay $0x1  }
0x14a: {  	[tilespmem:v2+s15+$0x0] =	vst.idx.add.f32.msk $0xffff, v3  }
0x14b: {  	v2 =	vld [tilespmem:s20+$0x30];
	_ =	sdelay $0x4  }
0x14c: {  	v2 =	vsub.f32 v2, v1;
	_ =	sdelay $0x1  }
0x14d: {  	v2 =	vmul.f32 $1.442695020e+00, v2;
	_ =	sdelay $0x1  }
0x14e: {  	(erf) = vpow2.f32 v2;
	_ =	sdelay $0x1  }
0x14f: {  	v2 =	vld [tilespmem:s20+$0x1930];
	_ =	sdelay $0x6  }
0x150: {  	v3 =	vpop (erf)  }
0x151: {  	[tilespmem:v2+s14+$0x0] =	vst.idx.add.f32.msk $0xffff, v3  }
0x152: {  	v59 =	vld [tilespmem:s20+$0xCB0];
	_ =	sdelay $0x4  }
0x153: {  	v3 =	vmul.f32 v3, v59;
	_ =	sdelay $0x1  }
0x154: {  	[tilespmem:v2+s15+$0x0] =	vst.idx.add.f32.msk $0xffff, v3  }
0x155: {  	v2 =	vld [tilespmem:s20+$0x40];
	_ =	sdelay $0x4  }
0x156: {  	v2 =	vsub.f32 v2, v1;
	_ =	sdelay $0x1  }
0x157: {  	v2 =	vmul.f32 $1.442695020e+00, v2;
	_ =	sdelay $0x1  }
0x158: {  	(erf) = vpow2.f32 v2;
	_ =	sdelay $0x1  }
0x159: {  	v2 =	vld [tilespmem:s20+$0x1940];
	_ =	sdelay $0x6  }
0x15a: {  	v3 =	vpop (erf)  }
0x15b: {  	[tilespmem:v2+s14+$0x0] =	vst.idx.add.f32.msk $0xffff, v3  }
0x15c: {  	v60 =	vld [tilespmem:s20+$0xCC0];
	_ =	sdelay $0x4  }
0x15d: {  	v3 =	vmul.f32 v3, v60;
	_ =	sdelay $0x1  }
0x15e: {  	[tilespmem:v2+s15+$0x0] =	vst.idx.add.f32.msk $0xffff, v3  }
0x15f: {  	v2 =	vld [tilespmem:s20+$0x50];
	_ =	sdelay $0x4  }
0x160: {  	v2 =	vsub.f32 v2, v1;
	_ =	sdelay $0x1  }
0x161: {  	v2 =	vmul.f32 $1.442695020e+00, v2;
	_ =	sdelay $0x1  }
0x162: {  	(erf) = vpow2.f32 v2;
	_ =	sdelay $0x1  }
0x163: {  	v2 =	vld [tilespmem:s20+$0x1950];
	_ =	sdelay $0x6  }
0x164: {  	v3 =	vpop (erf)  }
0x165: {  	[tilespmem:v2+s14+$0x0] =	vst.idx.add.f32.msk $0xffff, v3  }
0x166: {  	v61 =	vld [tilespmem:s20+$0xCD0];
	_ =	sdelay $0x4  }
0x167: {  	v3 =	vmul.f32 v3, v61;
	_ =	sdelay $0x1  }
0x168: {  	[tilespmem:v2+s15+$0x0] =	vst.idx.add.f32.msk $0xffff, v3  }
0x169: {  	v2 =	vld [tilespmem:s20+$0x60];
	_ =	sdelay $0x4  }
0x16a: {  	v2 =	vsub.f32 v2, v1;
	_ =	sdelay $0x1  }
0x16b: {  	v2 =	vmul.f32 $1.442695020e+00, v2;
	_ =	sdelay $0x1  }
0x16c: {  	(erf) = vpow2.f32 v2;
	_ =	sdelay $0x1  }
0x16d: {  	v2 =	vld [tilespmem:s20+$0x1960];
	_ =	sdelay $0x6  }
0x16e: {  	v3 =	vpop (erf)  }
0x16f: {  	[tilespmem:v2+s14+$0x0] =	vst.idx.add.f32.msk $0xffff, v3  }
0x170: {  	v62 =	vld [tilespmem:s20+$0xCE0];
	_ =	sdelay $0x4  }
0x171: {  	v3 =	vmul.f32 v3, v62;
	_ =	sdelay $0x1  }
0x172: {  	[tilespmem:v2+s15+$0x0] =	vst.idx.add.f32.msk $0xffff, v3  }
0x173: {  	v2 =	vld [tilespmem:s20+$0x70];
	_ =	sdelay $0x4  }
0x174: {  	v2 =	vsub.f32 v2, v1;
	_ =	sdelay $0x1  }
0x175: {  	v2 =	vmul.f32 $1.442695020e+00, v2;
	_ =	sdelay $0x1  }
0x176: {  	(erf) = vpow2.f32 v2;
	_ =	sdelay $0x1  }
0x177: {  	v2 =	vld [tilespmem:s20+$0x1970];
	_ =	sdelay $0x6  }
0x178: {  	v3 =	vpop (erf)  }
0x179: {  	[tilespmem:v2+s14+$0x0] =	vst.idx.add.f32.msk $0xffff, v3  }
0x17a: {  	v63 =	vld [tilespmem:s20+$0xCF0];
	_ =	sdelay $0x4  }
0x17b: {  	v3 =	vmul.f32 v3, v63;
	_ =	sdelay $0x1  }
0x17c: {  	[tilespmem:v2+s15+$0x0] =	vst.idx.add.f32.msk $0xffff, v3  }
0x17d: {  	[tilespmem:$0x28C0] =	vst v1  }
0x17e: {  	[hbm4b:s6+s16] =	stream.strided.scatter [tilespmem:s14], [sflag:$0x4], $0x300, s17, s16, $0x38;
	[tilespmem:$0x2C00] =	vst v63  }
0x17f: {  	s19 =	sadd.s32 $0x1, s19;
	_ =	swait.ge [sflag:s18], $0x300  }
0x180: {  	p0 =	sne.s32 s19, s8;
	[sflag:s18] =	ssyncset.done $0x0  }
.Ltmp2:
0x181: {  	[sflag:s18] =	ssyncadd.s32 $0xFFFFFD00;
	(pc) =	sbr.rel @p0 .LBB2_1-.Ltmp2, $4  }
0x182: {  	[hbm4b:s7+s16] =	stream.strided.scatter [tilespmem:s15], [sflag:$0x4], $0x300, s17, s16, $0x38;
	[tilespmem:$0x2C00] =	vst v63  }
0x183: {  	_ =	swait.ge [sflag:s18], $0x300  }
0x184: {  	[sflag:s18] =	ssyncset.done $0x0  }
0x185: {  	[sflag:s18] =	ssyncadd.s32 $0xFFFFFD00  }
0x186: {  	_ =	sfence.sel $0x180000  }
0x187: {  	[bflag:$0x0] =	sbarrier.arrive $0xFFFF  }
0x188: {  	p0 =	sne.s32 s0, $0x0;
	_ =	strace $0x90000047  }
0x189: {  	s0 =	sadd.s32 @!p0 $0x100000, s1;
	[bflag:$0x2] =	sbarrier.arrive $0xFFFF  }
0x18a: {  	[sflag:s0] =	ssyncadd.tile.s32 @!p0 $0x1;
	_ =	shalt  }
.Lfunc_end2:
_tile_overlayer_lowered:
.L_overlay_start_2:
0x18b: {  	(tag) =	ssettag $0x2  }
0x18c: {  	s0 =	rddreg [dreg:$0x0];
	s2 =	stileid.u32  }
0x18d: {  	s1 =	rddreg [dreg:$0x1];
	p0 =	sne.s32 s2, $0x0  }
0x18e: {  	s3 =	rddreg [dreg:$0x2];
	[bflag:$0x3] =	sbarrier.arrive $0xFFFF;
	s2 =	simm.s32 @!p0 $0x1C04  }
0x18f: {  	[timem:s3], [sflag:s2] =	dma.local @!p0 [hbm:s0], s1  }
0x190: {  	s0 =	simm.s32 @!p0 $0x4  }
0x191: {  	_ =	swait.ge @!p0 [sflag:s0], s1  }
0x192: {  	s1 =	ssub.s32 @!p0 $0x0, s1;
	[sflag:s0] =	ssyncset.done @!p0 $0x0  }
0x193: {  	[sflag:s0] =	ssyncadd.s32 @!p0 s1  }
0x194: {  	[bflag:$0x3] =	sbarrier.arrive $0xFFFF  }
0x195: {  	_ =	shalt  }

</sc_bundles>
